<compile_context>
chip_gen: v7x
topology: tpu7x:2x2x1
jax: 0.10.2.dev20260603
libtpu: 0.0.44.dev20260713+nightly
codegen_flags: <defaults>
</compile_context>

<pallas_src>
import functools

import jax
import jax.numpy as jnp
from jax import lax
from jax.experimental import pallas as pl
from jax.experimental.pallas import tpu as pltpu
from jax.experimental.pallas import tpu_sc as plsc

D = 64
S = 64
BBLK = 256
BLKB = 2048


def _sc_pc_transpose(pieces_flat, colors_flat, B):
    mesh = plsc.VectorSubcoreMesh(core_axis_name="core",
                                  subcore_axis_name="subcore")

    @functools.partial(
        pl.kernel,
        out_type=jax.ShapeDtypeStruct((S, B), jnp.int32),
        mesh=mesh,
        scratch_types=[pltpu.VMEM((BBLK * S,), jnp.int32)],
        compiler_params=pltpu.CompilerParams(use_tc_tiling_on_sc=False,
                                             needs_layout_passes=False),
    )
    def k(p_hbm, c_hbm, out_hbm, pc_v):
        def body(p_vmem, c_vmem, out_vmem):
            @pl.loop(0, BBLK * S, step=16)
            def _(i):
                pc_v[pl.ds(i, 16)] = (p_vmem[0, pl.ds(i, 16)] * 4
                                      + c_vmem[0, pl.ds(i, 16)])

            iota64 = lax.iota(jnp.int32, 16) * S

            @pl.loop(0, S)
            def _(s):
                @pl.loop(0, BBLK, step=16)
                def _(j):
                    idx = iota64 + (j * S + s)
                    out_vmem[s, pl.ds(j, 16)] = plsc.load_gather(pc_v, [idx])

        pltpu.emit_pipeline(
            body,
            grid=(B // BBLK,),
            in_specs=[pl.BlockSpec((1, BBLK * S), lambda i: (0, i)),
                      pl.BlockSpec((1, BBLK * S), lambda i: (0, i))],
            out_specs=[pl.BlockSpec((S, BBLK), lambda i: (0, i))],
            core_axis_name=("core", "subcore"),
            dimension_semantics=(pltpu.PARALLEL,),
        )(p_hbm, c_hbm, out_hbm)

    return k(pieces_flat, colors_flat)


def _tc_body(tbl_ref, pc_ref, out_ref):
    tbl = tbl_ref[0]

    def col(k):
        return tbl[:, k][:, None]

    pk = pc_ref[0]
    b0 = (pk & 1) != 0
    b1 = (pk & 2) != 0
    b2 = (pk & 4) != 0
    b3 = (pk & 8) != 0
    b4 = (pk & 16) != 0
    t0 = jnp.where(b2, col(1), col(0))
    t1 = jnp.where(b2, col(3), col(2))
    t2 = jnp.where(b2, col(5), col(4))
    u0 = jnp.where(b3, t1, t0)
    u1 = jnp.where(b3, col(6), t2)
    pv = jnp.where(b4, u1, u0)
    cv = jnp.where(b1, col(10), jnp.where(b0, col(9), col(8)))
    out_ref[0] = pv + cv


def _tc_lookup(tbl, pcT):
    B = pcT.shape[2]
    return pl.pallas_call(
        _tc_body,
        grid=(S, B // BLKB),
        in_specs=[pl.BlockSpec((1, D, 16), lambda s, j: (s, 0, 0)),
                  pl.BlockSpec((1, 1, BLKB), lambda s, j: (s, 0, j))],
        out_specs=pl.BlockSpec((1, D, BLKB), lambda s, j: (s, 0, j)),
        out_shape=jax.ShapeDtypeStruct((S, D, B), jnp.float32),
    )(tbl, pcT)


def kernel(pieces_ids, color_ids, position_table, piece_table, color_table,
           indexes):
    B, _ = pieces_ids.shape
    pos = jnp.take(position_table, indexes, axis=0)
    pcols = piece_table[jnp.clip(jnp.arange(8), 0, 6)].T
    ccols = color_table[jnp.clip(jnp.arange(8), 0, 2)].T
    ptab = pos[:, :, None] + pcols[None, :, :]
    ctab = jnp.broadcast_to(ccols[None, :, :], (S, D, 8))
    tbl = jnp.concatenate([ptab, ctab], axis=-1)
    p = pieces_ids.reshape(1, B * S).astype(jnp.int32)
    c = color_ids.reshape(1, B * S).astype(jnp.int32)
    pcT = _sc_pc_transpose(p, c, B)
    out3 = _tc_lookup(tbl, pcT.reshape(S, 1, B))
    return jnp.transpose(out3, (2, 0, 1))

# --- scband reference (transcript-rebuilt; emitter-appended) ---
"""Pipeline reference for scband-chess-former-encoder-embedding-13391708029017 (READ-ONLY COPY).

The authoritative reference and input builder live on the scoring server;
editing this copy changes nothing except your own understanding.
"""

import jax, jax.numpy as jnp
import numpy as np

EMBED_DIM = 64
BATCH = 16384

def setup_inputs(seed: int = 0) -> dict:
    key = jax.random.key(seed)
    k1, k2, k3, k4, k5 = jax.random.split(key, 5)
    pieces_ids = jax.random.randint(k1, (BATCH, 64), 0, 7, dtype=jnp.int64 if jax.config.jax_enable_x64 else jnp.int32)
    color_ids = jax.random.randint(k2, (BATCH, 64), 0, 3, dtype=jnp.int64 if jax.config.jax_enable_x64 else jnp.int32)
    position_table = jax.random.normal(k3, (64, EMBED_DIM), dtype=jnp.float32)
    piece_table = jax.random.normal(k4, (7, EMBED_DIM), dtype=jnp.float32)
    color_table = jax.random.normal(k5, (3, EMBED_DIM), dtype=jnp.float32)
    indexes = jnp.arange(64)  # BOARD_INDEXES buffer: square indices 0..63
    return {
        'pieces_ids': pieces_ids,
        'color_ids': color_ids,
        'position_table': position_table,
        'piece_table': piece_table,
        'color_table': color_table,
        'indexes': indexes,
    }

def reference(pieces_ids, color_ids, position_table, piece_table, color_table, indexes):
    # position_emb(indexes): [64, D] broadcast over batch
    pos = jnp.take(position_table, indexes, axis=0)          # [64, D]
    piece = jnp.take(piece_table, pieces_ids, axis=0)        # [B, 64, D]
    color = jnp.take(color_table, color_ids, axis=0)         # [B, 64, D]
    return pos + piece + color

if __name__ == "__main__":
    import jax
    _d = setup_inputs()
    print(jax.jit(kernel)(*tuple(_d.values())))

</pallas_src>

<mosaic_0001>
#map = affine_map<(d0, d1) -> (0, 0)>
module attributes {stable_mosaic.version = 14 : i64} {
  func.func @k(%arg0: i32, %arg1: i32, %arg2: memref<1x1048576xi32, #tpu.memory_space<hbm>>, %arg3: memref<1x1048576xi32, #tpu.memory_space<hbm>>, %arg4: memref<64x16384xi32, #tpu.memory_space<hbm>>, %arg5: memref<16384xi32, #tpu.memory_space<vmem>>) attributes {dimension_semantics = [#tpu.dimension_semantics<core_parallel>, #tpu.dimension_semantics<subcore_parallel>], iteration_bounds = array<i64: 2, 16>, scalar_prefetch = 0 : i64, scratch_operands = 1 : i64, tpu.core_type = #tpu.core_type<sc_vector_subcore>, window_params = [{transform_indices = #map}, {transform_indices = #map}, {transform_indices = #map}]} {
    %mul3A = arith.constant 1 : i32
    %mul3A_0 = arith.muli %arg1, %mul3A : i32
    %add3A = arith.constant 0 : i32
    %add3A_1 = arith.addi %add3A, %mul3A_0 : i32
    %mul3A_2 = arith.constant 16 : i32
    %mul3A_3 = arith.muli %arg0, %mul3A_2 : i32
    %add3A_4 = arith.addi %add3A_1, %mul3A_3 : i32
    %mul3A_5 = arith.constant 2 : i32
    %mul3A_6 = arith.muli %add3A_4, %mul3A_5 : i32
    "tpu.region"() ({
      %run_scoped3A = memref.alloca() : memref<2x1x16384xi32, #tpu.memory_space<vmem>>
      %run_scoped3A_7 = tpu.sem_alloc : memref<2x!tpu.dma_semaphore, #tpu.memory_space<semaphore_mem>>
      %run_scoped3A_8 = memref.alloca() : memref<2x1x16384xi32, #tpu.memory_space<vmem>>
      %run_scoped3A_9 = tpu.sem_alloc : memref<2x!tpu.dma_semaphore, #tpu.memory_space<semaphore_mem>>
      %run_scoped3A_10 = memref.alloca() : memref<2x64x256xi32, #tpu.memory_space<vmem>>
      %run_scoped3A_11 = tpu.sem_alloc : memref<2x!tpu.dma_semaphore, #tpu.memory_space<semaphore_mem>>
      %add3A_12 = arith.constant 0 : i32
      %add3A_13 = arith.addi %add3A_12, %mul3A_6 : i32
      %select_n3A = arith.constant true
      %select_n3A_14 = arith.constant 0 : i32
      %select_n3A_15 = arith.constant -1 : i32
      %select_n3A_16 = arith.select %select_n3A, %select_n3A_15, %select_n3A_14 : i32
      %eq3A = arith.constant -1 : i32
      %eq3A_17 = arith.cmpi eq, %select_n3A_16, %eq3A : i32
      %select_n3A_18 = arith.constant 1 : i32
      %select_n3A_19 = arith.select %eq3A_17, %select_n3A_18, %select_n3A_16 : i32
      %add3A_20 = arith.addi %select_n3A_19, %mul3A_6 : i32
      %select_n3A_21 = arith.constant true
      %select_n3A_22 = arith.constant 0 : i32
      %select_n3A_23 = arith.constant 1 : i32
      %select_n3A_24 = arith.select %select_n3A_21, %select_n3A_23, %select_n3A_22 : i32
      %eq3A_25 = arith.constant 2 : i32
      %eq3A_26 = arith.cmpi eq, %select_n3A_24, %eq3A_25 : i32
      %select_n3A_27 = arith.constant 0 : i32
      %select_n3A_28 = arith.select %eq3A_26, %select_n3A_27, %select_n3A_24 : i32
      %add3A_29 = arith.addi %select_n3A_28, %mul3A_6 : i32
      %add3A_30 = arith.constant 1 : i32
      %add3A_31 = arith.addi %select_n3A_28, %add3A_30 : i32
      %select_n3A_32 = arith.constant true
      %select_n3A_33 = arith.select %select_n3A_32, %add3A_31, %select_n3A_28 : i32
      %eq3A_34 = arith.constant 2 : i32
      %eq3A_35 = arith.cmpi eq, %select_n3A_33, %eq3A_34 : i32
      %select_n3A_36 = arith.constant 0 : i32
      %select_n3A_37 = arith.select %eq3A_35, %select_n3A_36, %select_n3A_33 : i32
      %add3A_38 = arith.addi %select_n3A_37, %mul3A_6 : i32
      "tpu.trace_start"() <{level = 10 : i32, message = "ep_initialize_0"}> : () -> ()
      %rem3A = arith.constant 0 : i32
      %rem3A_39 = arith.constant 2 : i32
      %rem3A_40 = arith.remui %rem3A, %rem3A_39 : i32
      %mul3A_41 = arith.constant 16384 : i32
      %mul3A_42 = arith.muli %mul3A_41, %add3A_13 : i32
      %dma_start3A = arith.constant 0 : i32
      %dma_start3A_43 = arith.constant 0 : i32
      %dma_start3A_44 = tpu.memref_slice %run_scoped3A[%rem3A_40, %dma_start3A, %dma_start3A_43] : memref<2x1x16384xi32, #tpu.memory_space<vmem>> -> memref<1x1x16384xi32, #tpu.memory_space<vmem>>
      %dma_start3A_45 = tpu.memref_squeeze %dma_start3A_44 : memref<1x1x16384xi32, #tpu.memory_space<vmem>> -> memref<1x16384xi32, #tpu.memory_space<vmem>>
      %dma_start3A_46 = arith.constant 0 : i32
      %dma_start3A_47 = tpu.memref_slice %arg2[%dma_start3A_46, %mul3A_42] : memref<1x1048576xi32, #tpu.memory_space<hbm>> -> memref<1x16384xi32, #tpu.memory_space<hbm>>
      %dma_start3A_48 = tpu.memref_slice %run_scoped3A_7[%rem3A_40] : memref<2x!tpu.dma_semaphore, #tpu.memory_space<semaphore_mem>> -> memref<1x!tpu.dma_semaphore, #tpu.memory_space<semaphore_mem>>
      %dma_start3A_49 = tpu.memref_squeeze %dma_start3A_48 : memref<1x!tpu.dma_semaphore, #tpu.memory_space<semaphore_mem>> -> memref<!tpu.dma_semaphore, #tpu.memory_space<semaphore_mem>>
      %dma_start3A_50 = arith.constant 0 : i32
      %dma_start3A_51 = arith.constant 0 : i32
      %dma_start3A_52 = tpu.memref_slice %run_scoped3A[%rem3A_40, %dma_start3A_50, %dma_start3A_51] : memref<2x1x16384xi32, #tpu.memory_space<vmem>> -> memref<1x1x16384xi32, #tpu.memory_space<vmem>>
      %dma_start3A_53 = tpu.memref_squeeze %dma_start3A_52 : memref<1x1x16384xi32, #tpu.memory_space<vmem>> -> memref<1x16384xi32, #tpu.memory_space<vmem>>
      %dma_start3A_54 = arith.constant 0 : i32
      %dma_start3A_55 = tpu.memref_slice %arg2[%dma_start3A_54, %mul3A_42] : memref<1x1048576xi32, #tpu.memory_space<hbm>> -> memref<1x16384xi32, #tpu.memory_space<hbm>>
      tpu.enqueue_dma source(%dma_start3A_55 : memref<1x16384xi32, #tpu.memory_space<hbm>>) target(%dma_start3A_53 : memref<1x16384xi32, #tpu.memory_space<vmem>>) target_semaphore(%dma_start3A_49 : memref<!tpu.dma_semaphore, #tpu.memory_space<semaphore_mem>>)
      %add3A_56 = arith.constant 0 : i32
      %add3A_57 = arith.constant 1 : i32
      %add3A_58 = arith.addi %add3A_56, %add3A_57 : i32
      %select_n3A_59 = arith.constant true
      %select_n3A_60 = arith.constant 0 : i32
      %select_n3A_61 = arith.select %select_n3A_59, %add3A_58, %select_n3A_60 : i32
      %rem3A_62 = arith.constant 0 : i32
      %rem3A_63 = arith.constant 2 : i32
      %rem3A_64 = arith.remui %rem3A_62, %rem3A_63 : i32
      %mul3A_65 = arith.constant 16384 : i32
      %mul3A_66 = arith.muli %mul3A_65, %add3A_13 : i32
      %dma_start3A_67 = arith.constant 0 : i32
      %dma_start3A_68 = arith.constant 0 : i32
      %dma_start3A_69 = tpu.memref_slice %run_scoped3A_8[%rem3A_64, %dma_start3A_67, %dma_start3A_68] : memref<2x1x16384xi32, #tpu.memory_space<vmem>> -> memref<1x1x16384xi32, #tpu.memory_space<vmem>>
      %dma_start3A_70 = tpu.memref_squeeze %dma_start3A_69 : memref<1x1x16384xi32, #tpu.memory_space<vmem>> -> memref<1x16384xi32, #tpu.memory_space<vmem>>
      %dma_start3A_71 = arith.constant 0 : i32
      %dma_start3A_72 = tpu.memref_slice %arg3[%dma_start3A_71, %mul3A_66] : memref<1x1048576xi32, #tpu.memory_space<hbm>> -> memref<1x16384xi32, #tpu.memory_space<hbm>>
      %dma_start3A_73 = tpu.memref_slice %run_scoped3A_9[%rem3A_64] : memref<2x!tpu.dma_semaphore, #tpu.memory_space<semaphore_mem>> -> memref<1x!tpu.dma_semaphore, #tpu.memory_space<semaphore_mem>>
      %dma_start3A_74 = tpu.memref_squeeze %dma_start3A_73 : memref<1x!tpu.dma_semaphore, #tpu.memory_space<semaphore_mem>> -> memref<!tpu.dma_semaphore, #tpu.memory_space<semaphore_mem>>
      %dma_start3A_75 = arith.constant 0 : i32
      %dma_start3A_76 = arith.constant 0 : i32
      %dma_start3A_77 = tpu.memref_slice %run_scoped3A_8[%rem3A_64, %dma_start3A_75, %dma_start3A_76] : memref<2x1x16384xi32, #tpu.memory_space<vmem>> -> memref<1x1x16384xi32, #tpu.memory_space<vmem>>
      %dma_start3A_78 = tpu.memref_squeeze %dma_start3A_77 : memref<1x1x16384xi32, #tpu.memory_space<vmem>> -> memref<1x16384xi32, #tpu.memory_space<vmem>>
      %dma_start3A_79 = arith.constant 0 : i32
      %dma_start3A_80 = tpu.memref_slice %arg3[%dma_start3A_79, %mul3A_66] : memref<1x1048576xi32, #tpu.memory_space<hbm>> -> memref<1x16384xi32, #tpu.memory_space<hbm>>
      tpu.enqueue_dma source(%dma_start3A_80 : memref<1x16384xi32, #tpu.memory_space<hbm>>) target(%dma_start3A_78 : memref<1x16384xi32, #tpu.memory_space<vmem>>) target_semaphore(%dma_start3A_74 : memref<!tpu.dma_semaphore, #tpu.memory_space<semaphore_mem>>)
      %add3A_81 = arith.constant 0 : i32
      %add3A_82 = arith.constant 1 : i32
      %add3A_83 = arith.addi %add3A_81, %add3A_82 : i32
      %select_n3A_84 = arith.constant true
      %select_n3A_85 = arith.constant 0 : i32
      %select_n3A_86 = arith.select %select_n3A_84, %add3A_83, %select_n3A_85 : i32
      "tpu.trace_stop"() : () -> ()
      %scan3A = arith.constant 0 : i32
      %scan3A_87 = arith.constant 0 : i32
      %scan3A_88 = arith.constant 0 : i32
      %scan3A_89 = arith.constant 0 : i32
      %scan3A_90 = arith.constant 0 : i32
      %scan3A_91 = arith.constant 0 : i32
      %scan3A_92 = arith.constant 2 : i32
      %scan3A_93 = arith.addi %scan3A_91, %scan3A_92 : i32
      %scan3A_94 = arith.constant 1 : i32
      %scan3A_95:7 = scf.for %scan3A_149 = %scan3A_91 to %scan3A_93 step %scan3A_94 iter_args(%scan3A_150 = %select_n3A_61, %scan3A_151 = %scan3A, %scan3A_152 = %select_n3A_86, %scan3A_153 = %scan3A_87, %scan3A_154 = %scan3A_88, %scan3A_155 = %scan3A_89, %scan3A_156 = %scan3A_90) -> (i32, i32, i32, i32, i32, i32, i32)  : i32 {
        %eq3A_157 = arith.constant 0 : i32
        %eq3A_158 = arith.cmpi eq, %scan3A_149, %eq3A_157 : i32
        %eq3A_159 = arith.constant 1 : i32
        %eq3A_160 = arith.cmpi eq, %scan3A_149, %eq3A_159 : i32
        %add3A_161 = arith.addi %scan3A_156, %mul3A_6 : i32
        %sub3A_162 = arith.constant 1 : i32
        %sub3A_163 = arith.subi %scan3A_156, %sub3A_162 : i32
        %select_n3A_164 = arith.constant true
        %select_n3A_165 = arith.select %select_n3A_164, %sub3A_163, %scan3A_156 : i32
        %eq3A_166 = arith.constant -1 : i32
        %eq3A_167 = arith.cmpi eq, %select_n3A_165, %eq3A_166 : i32
        %select_n3A_168 = arith.constant 1 : i32
        %select_n3A_169 = arith.select %eq3A_167, %select_n3A_168, %select_n3A_165 : i32
        %add3A_170 = arith.addi %select_n3A_169, %mul3A_6 : i32
        %add3A_171 = arith.constant 1 : i32
        %add3A_172 = arith.addi %scan3A_156, %add3A_171 : i32
        %select_n3A_173 = arith.constant true
        %select_n3A_174 = arith.select %select_n3A_173, %add3A_172, %scan3A_156 : i32
        %eq3A_175 = arith.constant 2 : i32
        %eq3A_176 = arith.cmpi eq, %select_n3A_174, %eq3A_175 : i32
        %select_n3A_177 = arith.constant 0 : i32
        %select_n3A_178 = arith.select %eq3A_176, %select_n3A_177, %select_n3A_174 : i32
        %add3A_179 = arith.addi %select_n3A_178, %mul3A_6 : i32
        %add3A_180 = arith.constant 1 : i32
        %add3A_181 = arith.addi %select_n3A_178, %add3A_180 : i32
        %select_n3A_182 = arith.constant true
        %select_n3A_183 = arith.select %select_n3A_182, %add3A_181, %select_n3A_178 : i32
        %eq3A_184 = arith.constant 2 : i32
        %eq3A_185 = arith.cmpi eq, %select_n3A_183, %eq3A_184 : i32
        %select_n3A_186 = arith.constant 0 : i32
        %select_n3A_187 = arith.select %eq3A_185, %select_n3A_186, %select_n3A_183 : i32
        %add3A_188 = arith.addi %select_n3A_187, %mul3A_6 : i32
        %ne3A = arith.cmpi ne, %add3A_161, %add3A_179 : i32
        %or3A = arith.constant false
        %or3A_189 = arith.ori %or3A, %ne3A : i1
        %ge3A = arith.constant 1 : i32
        %ge3A_190 = arith.cmpi sge, %scan3A_149, %ge3A : i32
        %not3A = arith.constant true
        %not3A_191 = arith.xori %ge3A_190, %not3A : i1
        %and3A = arith.andi %or3A_189, %not3A_191 : i1
        %convert_element_type3A = arith.extui %and3A : i1 to i32
        %cond3A = arith.constant 0 : i32
        %cond3A_192 = arith.cmpi ne, %convert_element_type3A, %cond3A : i32
        scf.if %cond3A_192 {
          "tpu.trace_start"() <{level = 10 : i32, message = "ep_copy_in"}> : () -> ()
          %rem3A_350 = arith.constant 2 : i32
          %rem3A_351 = arith.remui %scan3A_150, %rem3A_350 : i32
          %mul3A_352 = arith.constant 16384 : i32
          %mul3A_353 = arith.muli %mul3A_352, %add3A_179 : i32
          %dma_start3A_354 = arith.constant 0 : i32
          %dma_start3A_355 = arith.constant 0 : i32
          %dma_start3A_356 = tpu.memref_slice %run_scoped3A[%rem3A_351, %dma_start3A_354, %dma_start3A_355] : memref<2x1x16384xi32, #tpu.memory_space<vmem>> -> memref<1x1x16384xi32, #tpu.memory_space<vmem>>
          %dma_start3A_357 = tpu.memref_squeeze %dma_start3A_356 : memref<1x1x16384xi32, #tpu.memory_space<vmem>> -> memref<1x16384xi32, #tpu.memory_space<vmem>>
          %dma_start3A_358 = arith.constant 0 : i32
          %dma_start3A_359 = tpu.memref_slice %arg2[%dma_start3A_358, %mul3A_353] : memref<1x1048576xi32, #tpu.memory_space<hbm>> -> memref<1x16384xi32, #tpu.memory_space<hbm>>
          %dma_start3A_360 = tpu.memref_slice %run_scoped3A_7[%rem3A_351] : memref<2x!tpu.dma_semaphore, #tpu.memory_space<semaphore_mem>> -> memref<1x!tpu.dma_semaphore, #tpu.memory_space<semaphore_mem>>
          %dma_start3A_361 = tpu.memref_squeeze %dma_start3A_360 : memref<1x!tpu.dma_semaphore, #tpu.memory_space<semaphore_mem>> -> memref<!tpu.dma_semaphore, #tpu.memory_space<semaphore_mem>>
          %dma_start3A_362 = arith.constant 0 : i32
          %dma_start3A_363 = arith.constant 0 : i32
          %dma_start3A_364 = tpu.memref_slice %run_scoped3A[%rem3A_351, %dma_start3A_362, %dma_start3A_363] : memref<2x1x16384xi32, #tpu.memory_space<vmem>> -> memref<1x1x16384xi32, #tpu.memory_space<vmem>>
          %dma_start3A_365 = tpu.memref_squeeze %dma_start3A_364 : memref<1x1x16384xi32, #tpu.memory_space<vmem>> -> memref<1x16384xi32, #tpu.memory_space<vmem>>
          %dma_start3A_366 = arith.constant 0 : i32
          %dma_start3A_367 = tpu.memref_slice %arg2[%dma_start3A_366, %mul3A_353] : memref<1x1048576xi32, #tpu.memory_space<hbm>> -> memref<1x16384xi32, #tpu.memory_space<hbm>>
          tpu.enqueue_dma source(%dma_start3A_367 : memref<1x16384xi32, #tpu.memory_space<hbm>>) target(%dma_start3A_365 : memref<1x16384xi32, #tpu.memory_space<vmem>>) target_semaphore(%dma_start3A_361 : memref<!tpu.dma_semaphore, #tpu.memory_space<semaphore_mem>>)
          "tpu.trace_stop"() : () -> ()
        } else {
        }
        %and3A_193 = arith.constant true
        %and3A_194 = arith.andi %and3A, %and3A_193 : i1
        %add3A_195 = arith.constant 1 : i32
        %add3A_196 = arith.addi %scan3A_150, %add3A_195 : i32
        %select_n3A_197 = arith.select %and3A_194, %add3A_196, %scan3A_150 : i32
        %ne3A_198 = arith.cmpi ne, %add3A_161, %add3A_179 : i32
        %or3A_199 = arith.constant false
        %or3A_200 = arith.ori %or3A_199, %ne3A_198 : i1
        %ge3A_201 = arith.constant 1 : i32
        %ge3A_202 = arith.cmpi sge, %scan3A_149, %ge3A_201 : i32
        %not3A_203 = arith.constant true
        %not3A_204 = arith.xori %ge3A_202, %not3A_203 : i1
        %and3A_205 = arith.andi %or3A_200, %not3A_204 : i1
        %convert_element_type3A_206 = arith.extui %and3A_205 : i1 to i32
        %cond3A_207 = arith.constant 0 : i32
        %cond3A_208 = arith.cmpi ne, %convert_element_type3A_206, %cond3A_207 : i32
        scf.if %cond3A_208 {
          "tpu.trace_start"() <{level = 10 : i32, message = "ep_copy_in"}> : () -> ()
          %rem3A_350 = arith.constant 2 : i32
          %rem3A_351 = arith.remui %scan3A_152, %rem3A_350 : i32
          %mul3A_352 = arith.constant 16384 : i32
          %mul3A_353 = arith.muli %mul3A_352, %add3A_179 : i32
          %dma_start3A_354 = arith.constant 0 : i32
          %dma_start3A_355 = arith.constant 0 : i32
          %dma_start3A_356 = tpu.memref_slice %run_scoped3A_8[%rem3A_351, %dma_start3A_354, %dma_start3A_355] : memref<2x1x16384xi32, #tpu.memory_space<vmem>> -> memref<1x1x16384xi32, #tpu.memory_space<vmem>>
          %dma_start3A_357 = tpu.memref_squeeze %dma_start3A_356 : memref<1x1x16384xi32, #tpu.memory_space<vmem>> -> memref<1x16384xi32, #tpu.memory_space<vmem>>
          %dma_start3A_358 = arith.constant 0 : i32
          %dma_start3A_359 = tpu.memref_slice %arg3[%dma_start3A_358, %mul3A_353] : memref<1x1048576xi32, #tpu.memory_space<hbm>> -> memref<1x16384xi32, #tpu.memory_space<hbm>>
          %dma_start3A_360 = tpu.memref_slice %run_scoped3A_9[%rem3A_351] : memref<2x!tpu.dma_semaphore, #tpu.memory_space<semaphore_mem>> -> memref<1x!tpu.dma_semaphore, #tpu.memory_space<semaphore_mem>>
          %dma_start3A_361 = tpu.memref_squeeze %dma_start3A_360 : memref<1x!tpu.dma_semaphore, #tpu.memory_space<semaphore_mem>> -> memref<!tpu.dma_semaphore, #tpu.memory_space<semaphore_mem>>
          %dma_start3A_362 = arith.constant 0 : i32
          %dma_start3A_363 = arith.constant 0 : i32
          %dma_start3A_364 = tpu.memref_slice %run_scoped3A_8[%rem3A_351, %dma_start3A_362, %dma_start3A_363] : memref<2x1x16384xi32, #tpu.memory_space<vmem>> -> memref<1x1x16384xi32, #tpu.memory_space<vmem>>
          %dma_start3A_365 = tpu.memref_squeeze %dma_start3A_364 : memref<1x1x16384xi32, #tpu.memory_space<vmem>> -> memref<1x16384xi32, #tpu.memory_space<vmem>>
          %dma_start3A_366 = arith.constant 0 : i32
          %dma_start3A_367 = tpu.memref_slice %arg3[%dma_start3A_366, %mul3A_353] : memref<1x1048576xi32, #tpu.memory_space<hbm>> -> memref<1x16384xi32, #tpu.memory_space<hbm>>
          tpu.enqueue_dma source(%dma_start3A_367 : memref<1x16384xi32, #tpu.memory_space<hbm>>) target(%dma_start3A_365 : memref<1x16384xi32, #tpu.memory_space<vmem>>) target_semaphore(%dma_start3A_361 : memref<!tpu.dma_semaphore, #tpu.memory_space<semaphore_mem>>)
          "tpu.trace_stop"() : () -> ()
        } else {
        }
        %and3A_209 = arith.constant true
        %and3A_210 = arith.andi %and3A_205, %and3A_209 : i1
        %add3A_211 = arith.constant 1 : i32
        %add3A_212 = arith.addi %scan3A_152, %add3A_211 : i32
        %select_n3A_213 = arith.select %and3A_210, %add3A_212, %scan3A_152 : i32
        %ne3A_214 = arith.cmpi ne, %add3A_161, %add3A_179 : i32
        %or3A_215 = arith.constant false
        %or3A_216 = arith.ori %or3A_215, %ne3A_214 : i1
        %ge3A_217 = arith.constant 1 : i32
        %ge3A_218 = arith.cmpi sge, %scan3A_149, %ge3A_217 : i32
        %not3A_219 = arith.constant true
        %not3A_220 = arith.xori %ge3A_218, %not3A_219 : i1
        %and3A_221 = arith.andi %or3A_216, %not3A_220 : i1
        %ne3A_222 = arith.cmpi ne, %add3A_161, %add3A_170 : i32
        %or3A_223 = arith.constant false
        %or3A_224 = arith.ori %or3A_223, %ne3A_222 : i1
        %or3A_225 = arith.ori %or3A_224, %eq3A_158 : i1
        %convert_element_type3A_226 = arith.extui %or3A_225 : i1 to i32
        %cond3A_227 = arith.constant 0 : i32
        %cond3A_228 = arith.cmpi ne, %convert_element_type3A_226, %cond3A_227 : i32
        scf.if %cond3A_228 {
          "tpu.trace_start"() <{level = 10 : i32, message = "ep_wait_in"}> : () -> ()
          %mul3A_350 = arith.constant 16384 : i32
          %mul3A_351 = arith.muli %mul3A_350, %add3A_161 : i32
          %rem3A_352 = arith.constant 2 : i32
          %rem3A_353 = arith.remui %scan3A_151, %rem3A_352 : i32
          %dma_wait3A_354 = arith.constant 0 : i32
          %dma_wait3A_355 = arith.constant 0 : i32
          %dma_wait3A_356 = tpu.memref_slice %run_scoped3A[%rem3A_353, %dma_wait3A_354, %dma_wait3A_355] : memref<2x1x16384xi32, #tpu.memory_space<vmem>> -> memref<1x1x16384xi32, #tpu.memory_space<vmem>>
          %dma_wait3A_357 = tpu.memref_squeeze %dma_wait3A_356 : memref<1x1x16384xi32, #tpu.memory_space<vmem>> -> memref<1x16384xi32, #tpu.memory_space<vmem>>
          %dma_wait3A_358 = arith.constant 0 : i32
          %dma_wait3A_359 = tpu.memref_slice %arg2[%dma_wait3A_358, %mul3A_351] : memref<1x1048576xi32, #tpu.memory_space<hbm>> -> memref<1x16384xi32, #tpu.memory_space<hbm>>
          %dma_wait3A_360 = tpu.memref_slice %run_scoped3A_7[%rem3A_353] : memref<2x!tpu.dma_semaphore, #tpu.memory_space<semaphore_mem>> -> memref<1x!tpu.dma_semaphore, #tpu.memory_space<semaphore_mem>>
          %dma_wait3A_361 = tpu.memref_squeeze %dma_wait3A_360 : memref<1x!tpu.dma_semaphore, #tpu.memory_space<semaphore_mem>> -> memref<!tpu.dma_semaphore, #tpu.memory_space<semaphore_mem>>
          %dma_wait3A_362 = arith.constant 0 : i32
          %dma_wait3A_363 = arith.constant 0 : i32
          %dma_wait3A_364 = tpu.memref_slice %run_scoped3A[%rem3A_353, %dma_wait3A_362, %dma_wait3A_363] : memref<2x1x16384xi32, #tpu.memory_space<vmem>> -> memref<1x1x16384xi32, #tpu.memory_space<vmem>>
          %dma_wait3A_365 = tpu.memref_squeeze %dma_wait3A_364 : memref<1x1x16384xi32, #tpu.memory_space<vmem>> -> memref<1x16384xi32, #tpu.memory_space<vmem>>
          %dma_wait3A_366 = arith.constant 0 : i32
          %dma_wait3A_367 = tpu.memref_slice %arg2[%dma_wait3A_366, %mul3A_351] : memref<1x1048576xi32, #tpu.memory_space<hbm>> -> memref<1x16384xi32, #tpu.memory_space<hbm>>
          tpu.wait_dma2 semaphore(%dma_wait3A_361 : memref<!tpu.dma_semaphore, #tpu.memory_space<semaphore_mem>>) src(%dma_wait3A_367 : memref<1x16384xi32, #tpu.memory_space<hbm>>) dst(%dma_wait3A_365 : memref<1x16384xi32, #tpu.memory_space<vmem>>)
          "tpu.trace_stop"() : () -> ()
        } else {
        }
        %ne3A_229 = arith.cmpi ne, %add3A_161, %add3A_170 : i32
        %or3A_230 = arith.constant false
        %or3A_231 = arith.ori %or3A_230, %ne3A_229 : i1
        %or3A_232 = arith.ori %or3A_231, %eq3A_158 : i1
        %convert_element_type3A_233 = arith.extui %or3A_232 : i1 to i32
        %cond3A_234 = arith.constant 0 : i32
        %cond3A_235 = arith.cmpi ne, %convert_element_type3A_233, %cond3A_234 : i32
        scf.if %cond3A_235 {
          "tpu.trace_start"() <{level = 10 : i32, message = "ep_wait_in"}> : () -> ()
          %mul3A_350 = arith.constant 16384 : i32
          %mul3A_351 = arith.muli %mul3A_350, %add3A_161 : i32
          %rem3A_352 = arith.constant 2 : i32
          %rem3A_353 = arith.remui %scan3A_153, %rem3A_352 : i32
          %dma_wait3A_354 = arith.constant 0 : i32
          %dma_wait3A_355 = arith.constant 0 : i32
          %dma_wait3A_356 = tpu.memref_slice %run_scoped3A_8[%rem3A_353, %dma_wait3A_354, %dma_wait3A_355] : memref<2x1x16384xi32, #tpu.memory_space<vmem>> -> memref<1x1x16384xi32, #tpu.memory_space<vmem>>
          %dma_wait3A_357 = tpu.memref_squeeze %dma_wait3A_356 : memref<1x1x16384xi32, #tpu.memory_space<vmem>> -> memref<1x16384xi32, #tpu.memory_space<vmem>>
          %dma_wait3A_358 = arith.constant 0 : i32
          %dma_wait3A_359 = tpu.memref_slice %arg3[%dma_wait3A_358, %mul3A_351] : memref<1x1048576xi32, #tpu.memory_space<hbm>> -> memref<1x16384xi32, #tpu.memory_space<hbm>>
          %dma_wait3A_360 = tpu.memref_slice %run_scoped3A_9[%rem3A_353] : memref<2x!tpu.dma_semaphore, #tpu.memory_space<semaphore_mem>> -> memref<1x!tpu.dma_semaphore, #tpu.memory_space<semaphore_mem>>
          %dma_wait3A_361 = tpu.memref_squeeze %dma_wait3A_360 : memref<1x!tpu.dma_semaphore, #tpu.memory_space<semaphore_mem>> -> memref<!tpu.dma_semaphore, #tpu.memory_space<semaphore_mem>>
          %dma_wait3A_362 = arith.constant 0 : i32
          %dma_wait3A_363 = arith.constant 0 : i32
          %dma_wait3A_364 = tpu.memref_slice %run_scoped3A_8[%rem3A_353, %dma_wait3A_362, %dma_wait3A_363] : memref<2x1x16384xi32, #tpu.memory_space<vmem>> -> memref<1x1x16384xi32, #tpu.memory_space<vmem>>
          %dma_wait3A_365 = tpu.memref_squeeze %dma_wait3A_364 : memref<1x1x16384xi32, #tpu.memory_space<vmem>> -> memref<1x16384xi32, #tpu.memory_space<vmem>>
          %dma_wait3A_366 = arith.constant 0 : i32
          %dma_wait3A_367 = tpu.memref_slice %arg3[%dma_wait3A_366, %mul3A_351] : memref<1x1048576xi32, #tpu.memory_space<hbm>> -> memref<1x16384xi32, #tpu.memory_space<hbm>>
          tpu.wait_dma2 semaphore(%dma_wait3A_361 : memref<!tpu.dma_semaphore, #tpu.memory_space<semaphore_mem>>) src(%dma_wait3A_367 : memref<1x16384xi32, #tpu.memory_space<hbm>>) dst(%dma_wait3A_365 : memref<1x16384xi32, #tpu.memory_space<vmem>>)
          "tpu.trace_stop"() : () -> ()
        } else {
        }
        %ne3A_236 = arith.cmpi ne, %add3A_161, %add3A_170 : i32
        %or3A_237 = arith.constant false
        %or3A_238 = arith.ori %or3A_237, %ne3A_236 : i1
        %or3A_239 = arith.ori %or3A_238, %eq3A_158 : i1
        %convert_element_type3A_240 = arith.extui %or3A_239 : i1 to i32
        %cond3A_241 = arith.constant 0 : i32
        %cond3A_242 = arith.cmpi ne, %convert_element_type3A_240, %cond3A_241 : i32
        scf.if %cond3A_242 {
        } else {
        }
        %rem3A_243 = arith.constant 2 : i32
        %rem3A_244 = arith.remui %scan3A_151, %rem3A_243 : i32
        %rem3A_245 = arith.constant 2 : i32
        %rem3A_246 = arith.remui %scan3A_153, %rem3A_245 : i32
        %rem3A_247 = arith.constant 2 : i32
        %rem3A_248 = arith.remui %scan3A_154, %rem3A_247 : i32
        "tpu.trace_start"() <{level = 10 : i32, message = "ep_run_kernel"}> : () -> ()
        %scan3A_249 = arith.constant 0 : i32
        %scan3A_250 = arith.constant 1024 : i32
        %scan3A_251 = arith.addi %scan3A_249, %scan3A_250 : i32
        %scan3A_252 = arith.constant 1 : i32
        scf.for %scan3A_350 = %scan3A_249 to %scan3A_251 step %scan3A_252  : i32 {
          %mul3A_351 = arith.constant 16 : i32
          %mul3A_352 = arith.muli %scan3A_350, %mul3A_351 : i32
          %add3A_353 = arith.constant 0 : i32
          %add3A_354 = arith.addi %add3A_353, %mul3A_352 : i32
          %get3A = arith.constant 0 : i32
          %get3A_355 = arith.constant 0 : i32
          %get3A_356 = arith.constant 0 : i32
          %get3A_357 = tpu.memref_slice %run_scoped3A[%rem3A_244, %get3A_355, %get3A_356] : memref<2x1x16384xi32, #tpu.memory_space<vmem>> -> memref<1x1x16384xi32, #tpu.memory_space<vmem>>
          %get3A_358 = tpu.memref_squeeze %get3A_357 : memref<1x1x16384xi32, #tpu.memory_space<vmem>> -> memref<1x16384xi32, #tpu.memory_space<vmem>>
          %get3A_359 = arith.index_cast %get3A : i32 to index
          %get3A_360 = arith.index_cast %add3A_354 : i32 to index
          %get3A_361 = tpu.vector_load %get3A_358[%get3A_359, %get3A_360] {strides = array<i32>} : memref<1x16384xi32, #tpu.memory_space<vmem>>, vector<16xi32>,
          %mul3A_362 = arith.constant 4 : i32
          %mul3A_363 = vector.broadcast %mul3A_362 : i32 to vector<16xi32>
          %mul3A_364 = arith.muli %get3A_361, %mul3A_363 : vector<16xi32>
          %get3A_365 = arith.constant 0 : i32
          %get3A_366 = arith.constant 0 : i32
          %get3A_367 = arith.constant 0 : i32
          %get3A_368 = tpu.memref_slice %run_scoped3A_8[%rem3A_246, %get3A_366, %get3A_367] : memref<2x1x16384xi32, #tpu.memory_space<vmem>> -> memref<1x1x16384xi32, #tpu.memory_space<vmem>>
          %get3A_369 = tpu.memref_squeeze %get3A_368 : memref<1x1x16384xi32, #tpu.memory_space<vmem>> -> memref<1x16384xi32, #tpu.memory_space<vmem>>
          %get3A_370 = arith.index_cast %get3A_365 : i32 to index
          %get3A_371 = arith.index_cast %add3A_354 : i32 to index
          %get3A_372 = tpu.vector_load %get3A_369[%get3A_370, %get3A_371] {strides = array<i32>} : memref<1x16384xi32, #tpu.memory_space<vmem>>, vector<16xi32>,
          %add3A_373 = arith.addi %mul3A_364, %get3A_372 : vector<16xi32>
          %swap3A = arith.index_cast %add3A_354 : i32 to index
          %swap3A_374 = tpu.vector_load %arg5[%swap3A] {strides = array<i32>} : memref<16384xi32, #tpu.memory_space<vmem>>, vector<16xi32>,
          tpu.vector_store %arg5[%swap3A], %add3A_373 {strides = array<i32>} : memref<16384xi32, #tpu.memory_space<vmem>>, vector<16xi32>,
        }
        %scan3A_253 = arith.constant 1024 : i32
        %iota3A = tpu.iota {dimensions = array<i32: 0>} : vector<16xi32>
        %mul3A_254 = arith.constant 64 : i32
        %mul3A_255 = vector.broadcast %mul3A_254 : i32 to vector<16xi32>
        %mul3A_256 = arith.muli %iota3A, %mul3A_255 : vector<16xi32>
        %scan3A_257 = arith.constant 0 : i32
        %scan3A_258 = arith.constant 64 : i32
        %scan3A_259 = arith.addi %scan3A_257, %scan3A_258 : i32
        %scan3A_260 = arith.constant 1 : i32
        scf.for %scan3A_350 = %scan3A_257 to %scan3A_259 step %scan3A_260  : i32 {
          %mul3A_351 = arith.constant 1 : i32
          %mul3A_352 = arith.muli %scan3A_350, %mul3A_351 : i32
          %add3A_353 = arith.constant 0 : i32
          %add3A_354 = arith.addi %add3A_353, %mul3A_352 : i32
          %scan3A_355 = arith.constant 0 : i32
          %scan3A_356 = arith.constant 16 : i32
          %scan3A_357 = arith.addi %scan3A_355, %scan3A_356 : i32
          %scan3A_358 = arith.constant 1 : i32
          scf.for %scan3A_360 = %scan3A_355 to %scan3A_357 step %scan3A_358  : i32 {
            %mul3A_361 = arith.constant 16 : i32
            %mul3A_362 = arith.muli %scan3A_360, %mul3A_361 : i32
            %add3A_363 = arith.constant 0 : i32
            %add3A_364 = arith.addi %add3A_363, %mul3A_362 : i32
            %mul3A_365 = arith.constant 64 : i32
            %mul3A_366 = arith.muli %add3A_364, %mul3A_365 : i32
            %add3A_367 = arith.addi %mul3A_366, %add3A_354 : i32
            %add3A_368 = vector.broadcast %add3A_367 : i32 to vector<16xi32>
            %add3A_369 = arith.addi %mul3A_256, %add3A_368 : vector<16xi32>
            %gather3A = tpu.vector_load_idx %arg5[%add3A_369] : memref<16384xi32, #tpu.memory_space<vmem>>[vector<16xi32>], vector<16xi32>,
            %swap3A = arith.constant 0 : i32
            %swap3A_370 = arith.constant 0 : i32
            %swap3A_371 = tpu.memref_slice %run_scoped3A_10[%rem3A_248, %swap3A, %swap3A_370] : memref<2x64x256xi32, #tpu.memory_space<vmem>> -> memref<1x64x256xi32, #tpu.memory_space<vmem>>
            %swap3A_372 = tpu.memref_squeeze %swap3A_371 : memref<1x64x256xi32, #tpu.memory_space<vmem>> -> memref<64x256xi32, #tpu.memory_space<vmem>>
            %swap3A_373 = arith.index_cast %add3A_354 : i32 to index
            %swap3A_374 = arith.index_cast %add3A_364 : i32 to index
            %swap3A_375 = tpu.vector_load %swap3A_372[%swap3A_373, %swap3A_374] {strides = array<i32>} : memref<64x256xi32, #tpu.memory_space<vmem>>, vector<16xi32>,
            tpu.vector_store %swap3A_372[%swap3A_373, %swap3A_374], %gather3A {strides = array<i32>} : memref<64x256xi32, #tpu.memory_space<vmem>>, vector<16xi32>,
          }
          %scan3A_359 = arith.constant 16 : i32
        }
        %scan3A_261 = arith.constant 64 : i32
        "tpu.trace_stop"() : () -> ()
        %ne3A_262 = arith.cmpi ne, %add3A_161, %add3A_179 : i32
        %or3A_263 = arith.constant false
        %or3A_264 = arith.ori %or3A_263, %ne3A_262 : i1
        %or3A_265 = arith.ori %or3A_264, %eq3A_160 : i1
        %convert_element_type3A_266 = arith.extui %or3A_265 : i1 to i32
        %cond3A_267 = arith.constant 0 : i32
        %cond3A_268 = arith.cmpi ne, %convert_element_type3A_266, %cond3A_267 : i32
        scf.if %cond3A_268 {
        } else {
        }
        %and3A_269 = arith.constant false
        %and3A_270 = arith.andi %or3A_265, %and3A_269 : i1
        %ne3A_271 = arith.cmpi ne, %add3A_161, %add3A_179 : i32
        %or3A_272 = arith.constant false
        %or3A_273 = arith.ori %or3A_272, %ne3A_271 : i1
        %or3A_274 = arith.ori %or3A_273, %eq3A_160 : i1
        %convert_element_type3A_275 = arith.extui %or3A_274 : i1 to i32
        %cond3A_276 = arith.constant 0 : i32
        %cond3A_277 = arith.cmpi ne, %convert_element_type3A_275, %cond3A_276 : i32
        scf.if %cond3A_277 {
        } else {
        }
        %and3A_278 = arith.constant false
        %and3A_279 = arith.andi %or3A_274, %and3A_278 : i1
        %ne3A_280 = arith.cmpi ne, %add3A_161, %add3A_179 : i32
        %or3A_281 = arith.constant false
        %or3A_282 = arith.ori %or3A_281, %ne3A_280 : i1
        %or3A_283 = arith.ori %or3A_282, %eq3A_160 : i1
        %convert_element_type3A_284 = arith.extui %or3A_283 : i1 to i32
        %cond3A_285 = arith.constant 0 : i32
        %cond3A_286 = arith.cmpi ne, %convert_element_type3A_284, %cond3A_285 : i32
        scf.if %cond3A_286 {
          "tpu.trace_start"() <{level = 10 : i32, message = "ep_copy_out"}> : () -> ()
          %rem3A_350 = arith.constant 2 : i32
          %rem3A_351 = arith.remui %scan3A_154, %rem3A_350 : i32
          %mul3A_352 = arith.constant 256 : i32
          %mul3A_353 = arith.muli %mul3A_352, %add3A_161 : i32
          %dma_start3A_354 = arith.constant 0 : i32
          %dma_start3A_355 = arith.constant 0 : i32
          %dma_start3A_356 = tpu.memref_slice %run_scoped3A_10[%rem3A_351, %dma_start3A_354, %dma_start3A_355] : memref<2x64x256xi32, #tpu.memory_space<vmem>> -> memref<1x64x256xi32, #tpu.memory_space<vmem>>
          %dma_start3A_357 = tpu.memref_squeeze %dma_start3A_356 : memref<1x64x256xi32, #tpu.memory_space<vmem>> -> memref<64x256xi32, #tpu.memory_space<vmem>>
          %dma_start3A_358 = arith.constant 0 : i32
          %dma_start3A_359 = tpu.memref_slice %arg4[%dma_start3A_358, %mul3A_353] : memref<64x16384xi32, #tpu.memory_space<hbm>> -> memref<64x256xi32, #tpu.memory_space<hbm>>
          %dma_start3A_360 = tpu.memref_slice %run_scoped3A_11[%rem3A_351] : memref<2x!tpu.dma_semaphore, #tpu.memory_space<semaphore_mem>> -> memref<1x!tpu.dma_semaphore, #tpu.memory_space<semaphore_mem>>
          %dma_start3A_361 = tpu.memref_squeeze %dma_start3A_360 : memref<1x!tpu.dma_semaphore, #tpu.memory_space<semaphore_mem>> -> memref<!tpu.dma_semaphore, #tpu.memory_space<semaphore_mem>>
          %dma_start3A_362 = arith.constant 0 : i32
          %dma_start3A_363 = tpu.memref_slice %arg4[%dma_start3A_362, %mul3A_353] : memref<64x16384xi32, #tpu.memory_space<hbm>> -> memref<64x256xi32, #tpu.memory_space<hbm>>
          %dma_start3A_364 = arith.constant 0 : i32
          %dma_start3A_365 = arith.constant 0 : i32
          %dma_start3A_366 = tpu.memref_slice %run_scoped3A_10[%rem3A_351, %dma_start3A_364, %dma_start3A_365] : memref<2x64x256xi32, #tpu.memory_space<vmem>> -> memref<1x64x256xi32, #tpu.memory_space<vmem>>
          %dma_start3A_367 = tpu.memref_squeeze %dma_start3A_366 : memref<1x64x256xi32, #tpu.memory_space<vmem>> -> memref<64x256xi32, #tpu.memory_space<vmem>>
          tpu.enqueue_dma source(%dma_start3A_367 : memref<64x256xi32, #tpu.memory_space<vmem>>) target(%dma_start3A_363 : memref<64x256xi32, #tpu.memory_space<hbm>>) target_semaphore(%dma_start3A_361 : memref<!tpu.dma_semaphore, #tpu.memory_space<semaphore_mem>>)
          "tpu.trace_stop"() : () -> ()
        } else {
        }
        %and3A_287 = arith.constant true
        %and3A_288 = arith.andi %or3A_283, %and3A_287 : i1
        %add3A_289 = arith.constant 1 : i32
        %add3A_290 = arith.addi %scan3A_154, %add3A_289 : i32
        %select_n3A_291 = arith.select %and3A_288, %add3A_290, %scan3A_154 : i32
        %ne3A_292 = arith.cmpi ne, %add3A_161, %add3A_170 : i32
        %or3A_293 = arith.constant false
        %or3A_294 = arith.ori %or3A_293, %ne3A_292 : i1
        %not3A_295 = arith.constant true
        %not3A_296 = arith.xori %eq3A_158, %not3A_295 : i1
        %and3A_297 = arith.andi %or3A_294, %not3A_296 : i1
        %convert_element_type3A_298 = arith.extui %and3A_297 : i1 to i32
        %cond3A_299 = arith.constant 0 : i32
        %cond3A_300 = arith.cmpi ne, %convert_element_type3A_298, %cond3A_299 : i32
        scf.if %cond3A_300 {
        } else {
        }
        %and3A_301 = arith.constant false
        %and3A_302 = arith.andi %and3A_297, %and3A_301 : i1
        %ne3A_303 = arith.cmpi ne, %add3A_161, %add3A_170 : i32
        %or3A_304 = arith.constant false
        %or3A_305 = arith.ori %or3A_304, %ne3A_303 : i1
        %not3A_306 = arith.constant true
        %not3A_307 = arith.xori %eq3A_158, %not3A_306 : i1
        %and3A_308 = arith.andi %or3A_305, %not3A_307 : i1
        %convert_element_type3A_309 = arith.extui %and3A_308 : i1 to i32
        %cond3A_310 = arith.constant 0 : i32
        %cond3A_311 = arith.cmpi ne, %convert_element_type3A_309, %cond3A_310 : i32
        scf.if %cond3A_311 {
        } else {
        }
        %and3A_312 = arith.constant false
        %and3A_313 = arith.andi %and3A_308, %and3A_312 : i1
        %ne3A_314 = arith.cmpi ne, %add3A_161, %add3A_170 : i32
        %or3A_315 = arith.constant false
        %or3A_316 = arith.ori %or3A_315, %ne3A_314 : i1
        %not3A_317 = arith.constant true
        %not3A_318 = arith.xori %eq3A_158, %not3A_317 : i1
        %and3A_319 = arith.andi %or3A_316, %not3A_318 : i1
        %convert_element_type3A_320 = arith.extui %and3A_319 : i1 to i32
        %cond3A_321 = arith.constant 0 : i32
        %cond3A_322 = arith.cmpi ne, %convert_element_type3A_320, %cond3A_321 : i32
        scf.if %cond3A_322 {
          "tpu.trace_start"() <{level = 10 : i32, message = "ep_wait_out"}> : () -> ()
          %rem3A_350 = arith.constant 2 : i32
          %rem3A_351 = arith.remui %scan3A_155, %rem3A_350 : i32
          %mul3A_352 = arith.constant 256 : i32
          %mul3A_353 = arith.muli %mul3A_352, %add3A_170 : i32
          %dma_wait3A_354 = arith.constant 0 : i32
          %dma_wait3A_355 = arith.constant 0 : i32
          %dma_wait3A_356 = tpu.memref_slice %run_scoped3A_10[%rem3A_351, %dma_wait3A_354, %dma_wait3A_355] : memref<2x64x256xi32, #tpu.memory_space<vmem>> -> memref<1x64x256xi32, #tpu.memory_space<vmem>>
          %dma_wait3A_357 = tpu.memref_squeeze %dma_wait3A_356 : memref<1x64x256xi32, #tpu.memory_space<vmem>> -> memref<64x256xi32, #tpu.memory_space<vmem>>
          %dma_wait3A_358 = arith.constant 0 : i32
          %dma_wait3A_359 = tpu.memref_slice %arg4[%dma_wait3A_358, %mul3A_353] : memref<64x16384xi32, #tpu.memory_space<hbm>> -> memref<64x256xi32, #tpu.memory_space<hbm>>
          %dma_wait3A_360 = tpu.memref_slice %run_scoped3A_11[%rem3A_351] : memref<2x!tpu.dma_semaphore, #tpu.memory_space<semaphore_mem>> -> memref<1x!tpu.dma_semaphore, #tpu.memory_space<semaphore_mem>>
          %dma_wait3A_361 = tpu.memref_squeeze %dma_wait3A_360 : memref<1x!tpu.dma_semaphore, #tpu.memory_space<semaphore_mem>> -> memref<!tpu.dma_semaphore, #tpu.memory_space<semaphore_mem>>
          %dma_wait3A_362 = arith.constant 0 : i32
          %dma_wait3A_363 = tpu.memref_slice %arg4[%dma_wait3A_362, %mul3A_353] : memref<64x16384xi32, #tpu.memory_space<hbm>> -> memref<64x256xi32, #tpu.memory_space<hbm>>
          %dma_wait3A_364 = arith.constant 0 : i32
          %dma_wait3A_365 = arith.constant 0 : i32
          %dma_wait3A_366 = tpu.memref_slice %run_scoped3A_10[%rem3A_351, %dma_wait3A_364, %dma_wait3A_365] : memref<2x64x256xi32, #tpu.memory_space<vmem>> -> memref<1x64x256xi32, #tpu.memory_space<vmem>>
          %dma_wait3A_367 = tpu.memref_squeeze %dma_wait3A_366 : memref<1x64x256xi32, #tpu.memory_space<vmem>> -> memref<64x256xi32, #tpu.memory_space<vmem>>
          tpu.wait_dma2 semaphore(%dma_wait3A_361 : memref<!tpu.dma_semaphore, #tpu.memory_space<semaphore_mem>>) src(%dma_wait3A_367 : memref<64x256xi32, #tpu.memory_space<vmem>>) dst(%dma_wait3A_363 : memref<64x256xi32, #tpu.memory_space<hbm>>)
          "tpu.trace_stop"() : () -> ()
        } else {
        }
        %and3A_323 = arith.constant true
        %and3A_324 = arith.andi %and3A_319, %and3A_323 : i1
        %add3A_325 = arith.constant 1 : i32
        %add3A_326 = arith.addi %scan3A_155, %add3A_325 : i32
        %select_n3A_327 = arith.select %and3A_324, %add3A_326, %scan3A_155 : i32
        %ne3A_328 = arith.cmpi ne, %add3A_161, %add3A_179 : i32
        %or3A_329 = arith.constant false
        %or3A_330 = arith.ori %or3A_329, %ne3A_328 : i1
        %or3A_331 = arith.ori %or3A_330, %eq3A_160 : i1
        %add3A_332 = arith.constant 1 : i32
        %add3A_333 = arith.addi %scan3A_151, %add3A_332 : i32
        %select_n3A_334 = arith.select %or3A_331, %add3A_333, %scan3A_151 : i32
        %ne3A_335 = arith.cmpi ne, %add3A_161, %add3A_179 : i32
        %or3A_336 = arith.constant false
        %or3A_337 = arith.ori %or3A_336, %ne3A_335 : i1
        %or3A_338 = arith.ori %or3A_337, %eq3A_160 : i1
        %add3A_339 = arith.constant 1 : i32
        %add3A_340 = arith.addi %scan3A_153, %add3A_339 : i32
        %select_n3A_341 = arith.select %or3A_338, %add3A_340, %scan3A_153 : i32
        %add3A_342 = arith.constant 1 : i32
        %add3A_343 = arith.addi %scan3A_156, %add3A_342 : i32
        %select_n3A_344 = arith.constant true
        %select_n3A_345 = arith.select %select_n3A_344, %add3A_343, %scan3A_156 : i32
        %eq3A_346 = arith.constant 2 : i32
        %eq3A_347 = arith.cmpi eq, %select_n3A_345, %eq3A_346 : i32
        %select_n3A_348 = arith.constant 0 : i32
        %select_n3A_349 = arith.select %eq3A_347, %select_n3A_348, %select_n3A_345 : i32
        scf.yield %select_n3A_197, %select_n3A_334, %select_n3A_213, %select_n3A_341, %select_n3A_291, %select_n3A_327, %select_n3A_349 : i32, i32, i32, i32, i32, i32, i32
      }
      %scan3A_96 = arith.constant 2 : i32
      %sub3A = arith.constant 1 : i32
      %sub3A_97 = arith.subi %scan3A_95#6, %sub3A : i32
      %select_n3A_98 = arith.constant true
      %select_n3A_99 = arith.select %select_n3A_98, %sub3A_97, %scan3A_95#6 : i32
      %eq3A_100 = arith.constant -1 : i32
      %eq3A_101 = arith.cmpi eq, %select_n3A_99, %eq3A_100 : i32
      %select_n3A_102 = arith.constant 1 : i32
      %select_n3A_103 = arith.select %eq3A_101, %select_n3A_102, %select_n3A_99 : i32
      %add3A_104 = arith.addi %select_n3A_103, %mul3A_6 : i32
      %sub3A_105 = arith.constant 1 : i32
      %sub3A_106 = arith.subi %select_n3A_103, %sub3A_105 : i32
      %select_n3A_107 = arith.constant true
      %select_n3A_108 = arith.select %select_n3A_107, %sub3A_106, %select_n3A_103 : i32
      %eq3A_109 = arith.constant -1 : i32
      %eq3A_110 = arith.cmpi eq, %select_n3A_108, %eq3A_109 : i32
      %select_n3A_111 = arith.constant 1 : i32
      %select_n3A_112 = arith.select %eq3A_110, %select_n3A_111, %select_n3A_108 : i32
      %add3A_113 = arith.addi %select_n3A_112, %mul3A_6 : i32
      %add3A_114 = arith.constant 1 : i32
      %add3A_115 = arith.addi %select_n3A_103, %add3A_114 : i32
      %select_n3A_116 = arith.constant true
      %select_n3A_117 = arith.select %select_n3A_116, %add3A_115, %select_n3A_103 : i32
      %eq3A_118 = arith.constant 2 : i32
      %eq3A_119 = arith.cmpi eq, %select_n3A_117, %eq3A_118 : i32
      %select_n3A_120 = arith.constant 0 : i32
      %select_n3A_121 = arith.select %eq3A_119, %select_n3A_120, %select_n3A_117 : i32
      %add3A_122 = arith.addi %select_n3A_121, %mul3A_6 : i32
      %add3A_123 = arith.constant 1 : i32
      %add3A_124 = arith.addi %select_n3A_121, %add3A_123 : i32
      %select_n3A_125 = arith.constant true
      %select_n3A_126 = arith.select %select_n3A_125, %add3A_124, %select_n3A_121 : i32
      %eq3A_127 = arith.constant 2 : i32
      %eq3A_128 = arith.cmpi eq, %select_n3A_126, %eq3A_127 : i32
      %select_n3A_129 = arith.constant 0 : i32
      %select_n3A_130 = arith.select %eq3A_128, %select_n3A_129, %select_n3A_126 : i32
      %add3A_131 = arith.addi %select_n3A_130, %mul3A_6 : i32
      "tpu.trace_start"() <{level = 10 : i32, message = "ep_finalize"}> : () -> ()
      %rem3A_132 = arith.constant 2 : i32
      %rem3A_133 = arith.remui %scan3A_95#5, %rem3A_132 : i32
      %mul3A_134 = arith.constant 256 : i32
      %mul3A_135 = arith.muli %mul3A_134, %add3A_104 : i32
      %dma_wait3A = arith.constant 0 : i32
      %dma_wait3A_136 = arith.constant 0 : i32
      %dma_wait3A_137 = tpu.memref_slice %run_scoped3A_10[%rem3A_133, %dma_wait3A, %dma_wait3A_136] : memref<2x64x256xi32, #tpu.memory_space<vmem>> -> memref<1x64x256xi32, #tpu.memory_space<vmem>>
      %dma_wait3A_138 = tpu.memref_squeeze %dma_wait3A_137 : memref<1x64x256xi32, #tpu.memory_space<vmem>> -> memref<64x256xi32, #tpu.memory_space<vmem>>
      %dma_wait3A_139 = arith.constant 0 : i32
      %dma_wait3A_140 = tpu.memref_slice %arg4[%dma_wait3A_139, %mul3A_135] : memref<64x16384xi32, #tpu.memory_space<hbm>> -> memref<64x256xi32, #tpu.memory_space<hbm>>
      %dma_wait3A_141 = tpu.memref_slice %run_scoped3A_11[%rem3A_133] : memref<2x!tpu.dma_semaphore, #tpu.memory_space<semaphore_mem>> -> memref<1x!tpu.dma_semaphore, #tpu.memory_space<semaphore_mem>>
      %dma_wait3A_142 = tpu.memref_squeeze %dma_wait3A_141 : memref<1x!tpu.dma_semaphore, #tpu.memory_space<semaphore_mem>> -> memref<!tpu.dma_semaphore, #tpu.memory_space<semaphore_mem>>
      %dma_wait3A_143 = arith.constant 0 : i32
      %dma_wait3A_144 = tpu.memref_slice %arg4[%dma_wait3A_143, %mul3A_135] : memref<64x16384xi32, #tpu.memory_space<hbm>> -> memref<64x256xi32, #tpu.memory_space<hbm>>
      %dma_wait3A_145 = arith.constant 0 : i32
      %dma_wait3A_146 = arith.constant 0 : i32
      %dma_wait3A_147 = tpu.memref_slice %run_scoped3A_10[%rem3A_133, %dma_wait3A_145, %dma_wait3A_146] : memref<2x64x256xi32, #tpu.memory_space<vmem>> -> memref<1x64x256xi32, #tpu.memory_space<vmem>>
      %dma_wait3A_148 = tpu.memref_squeeze %dma_wait3A_147 : memref<1x64x256xi32, #tpu.memory_space<vmem>> -> memref<64x256xi32, #tpu.memory_space<vmem>>
      tpu.wait_dma2 semaphore(%dma_wait3A_142 : memref<!tpu.dma_semaphore, #tpu.memory_space<semaphore_mem>>) src(%dma_wait3A_148 : memref<64x256xi32, #tpu.memory_space<vmem>>) dst(%dma_wait3A_144 : memref<64x256xi32, #tpu.memory_space<hbm>>)
      "tpu.trace_stop"() : () -> ()
      tpu.yield
    }) : () -> ()
    return
  }
}

module attributes {stable_mosaic.version = 14 : i64} {
  func.func @_tc_body(%arg0: i32, %arg1: i32, %arg2: memref<1x64x16xf32, #tpu.memory_space<vmem>>, %arg3: memref<1x1x2048xi32, #tpu.memory_space<vmem>>, %arg4: memref<1x64x2048xf32, #tpu.memory_space<vmem>>) attributes {dimension_semantics = [#tpu.dimension_semantics<arbitrary>, #tpu.dimension_semantics<arbitrary>], iteration_bounds = array<i64: 64, 8>, scalar_prefetch = 0 : i64, scratch_operands = 0 : i64, tpu.core_type = #tpu.core_type<tc>, window_params = [{transform_indices = @transform_0, window_bounds = array<i64: 1, 64, 16>}, {transform_indices = @transform_1, window_bounds = array<i64: 1, 1, 2048>}, {transform_indices = @transform_2, window_bounds = array<i64: 1, 64, 2048>}]} {
    %get3A = arith.constant 0 : index
    %get3A_0 = arith.constant 0 : index
    %get3A_1 = arith.constant 0 : index
    %get3A_2 = vector.load %arg2[%get3A, %get3A_0, %get3A_1] : memref<1x64x16xf32, #tpu.memory_space<vmem>>, vector<1x64x16xf32>
    %get3A_3 = vector.shape_cast %get3A_2 : vector<1x64x16xf32> to vector<64x16xf32>
    %get3A_4 = arith.constant 0 : index
    %get3A_5 = arith.constant 0 : index
    %get3A_6 = arith.constant 0 : index
    %get3A_7 = vector.load %arg3[%get3A_4, %get3A_5, %get3A_6] : memref<1x1x2048xi32, #tpu.memory_space<vmem>>, vector<1x1x2048xi32>
    %get3A_8 = vector.shape_cast %get3A_7 : vector<1x1x2048xi32> to vector<1x2048xi32>
    %and3A = arith.constant 1 : i32
    %and3A_9 = vector.broadcast %and3A : i32 to vector<1x2048xi32>
    %and3A_10 = arith.andi %get3A_8, %and3A_9 : vector<1x2048xi32>
    %ne3A = arith.constant 0 : i32
    %ne3A_11 = vector.broadcast %ne3A : i32 to vector<1x2048xi32>
    %ne3A_12 = arith.cmpi ne, %and3A_10, %ne3A_11 : vector<1x2048xi32>
    %and3A_13 = arith.constant 2 : i32
    %and3A_14 = vector.broadcast %and3A_13 : i32 to vector<1x2048xi32>
    %and3A_15 = arith.andi %get3A_8, %and3A_14 : vector<1x2048xi32>
    %ne3A_16 = arith.constant 0 : i32
    %ne3A_17 = vector.broadcast %ne3A_16 : i32 to vector<1x2048xi32>
    %ne3A_18 = arith.cmpi ne, %and3A_15, %ne3A_17 : vector<1x2048xi32>
    %and3A_19 = arith.constant 4 : i32
    %and3A_20 = vector.broadcast %and3A_19 : i32 to vector<1x2048xi32>
    %and3A_21 = arith.andi %get3A_8, %and3A_20 : vector<1x2048xi32>
    %ne3A_22 = arith.constant 0 : i32
    %ne3A_23 = vector.broadcast %ne3A_22 : i32 to vector<1x2048xi32>
    %ne3A_24 = arith.cmpi ne, %and3A_21, %ne3A_23 : vector<1x2048xi32>
    %and3A_25 = arith.constant 8 : i32
    %and3A_26 = vector.broadcast %and3A_25 : i32 to vector<1x2048xi32>
    %and3A_27 = arith.andi %get3A_8, %and3A_26 : vector<1x2048xi32>
    %ne3A_28 = arith.constant 0 : i32
    %ne3A_29 = vector.broadcast %ne3A_28 : i32 to vector<1x2048xi32>
    %ne3A_30 = arith.cmpi ne, %and3A_27, %ne3A_29 : vector<1x2048xi32>
    %and3A_31 = arith.constant 16 : i32
    %and3A_32 = vector.broadcast %and3A_31 : i32 to vector<1x2048xi32>
    %and3A_33 = arith.andi %get3A_8, %and3A_32 : vector<1x2048xi32>
    %ne3A_34 = arith.constant 0 : i32
    %ne3A_35 = vector.broadcast %ne3A_34 : i32 to vector<1x2048xi32>
    %ne3A_36 = arith.cmpi ne, %and3A_33, %ne3A_35 : vector<1x2048xi32>
    %slice3A = vector.extract_strided_slice %get3A_3 {offsets = [0, 1], sizes = [64, 1], strides = [1, 1]} : vector<64x16xf32> to vector<64x1xf32>
    %squeeze3A = vector.shape_cast %slice3A : vector<64x1xf32> to vector<64xf32>
    %broadcast_in_dim3A = vector.shape_cast %squeeze3A : vector<64xf32> to vector<64x1xf32>
    %slice3A_37 = vector.extract_strided_slice %get3A_3 {offsets = [0, 0], sizes = [64, 1], strides = [1, 1]} : vector<64x16xf32> to vector<64x1xf32>
    %squeeze3A_38 = vector.shape_cast %slice3A_37 : vector<64x1xf32> to vector<64xf32>
    %broadcast_in_dim3A_39 = vector.shape_cast %squeeze3A_38 : vector<64xf32> to vector<64x1xf32>
    %broadcast_in_dim3A_40 = vector.shape_cast %ne3A_24 : vector<1x2048xi1> to vector<1x2048xi1>
    %broadcast_in_dim3A_41 = vector.broadcast %broadcast_in_dim3A_40 : vector<1x2048xi1> to vector<64x2048xi1>
    %broadcast_in_dim3A_42 = vector.shape_cast %broadcast_in_dim3A : vector<64x1xf32> to vector<64x1xf32>
    %broadcast_in_dim3A_43 = vector.broadcast %broadcast_in_dim3A_42 : vector<64x1xf32> to vector<64x2048xf32>
    %broadcast_in_dim3A_44 = vector.shape_cast %broadcast_in_dim3A_39 : vector<64x1xf32> to vector<64x1xf32>
    %broadcast_in_dim3A_45 = vector.broadcast %broadcast_in_dim3A_44 : vector<64x1xf32> to vector<64x2048xf32>
    %select_n3A = arith.select %broadcast_in_dim3A_41, %broadcast_in_dim3A_43, %broadcast_in_dim3A_45 : vector<64x2048xi1>, vector<64x2048xf32>
    %slice3A_46 = vector.extract_strided_slice %get3A_3 {offsets = [0, 3], sizes = [64, 1], strides = [1, 1]} : vector<64x16xf32> to vector<64x1xf32>
    %squeeze3A_47 = vector.shape_cast %slice3A_46 : vector<64x1xf32> to vector<64xf32>
    %broadcast_in_dim3A_48 = vector.shape_cast %squeeze3A_47 : vector<64xf32> to vector<64x1xf32>
    %slice3A_49 = vector.extract_strided_slice %get3A_3 {offsets = [0, 2], sizes = [64, 1], strides = [1, 1]} : vector<64x16xf32> to vector<64x1xf32>
    %squeeze3A_50 = vector.shape_cast %slice3A_49 : vector<64x1xf32> to vector<64xf32>
    %broadcast_in_dim3A_51 = vector.shape_cast %squeeze3A_50 : vector<64xf32> to vector<64x1xf32>
    %broadcast_in_dim3A_52 = vector.shape_cast %ne3A_24 : vector<1x2048xi1> to vector<1x2048xi1>
    %broadcast_in_dim3A_53 = vector.broadcast %broadcast_in_dim3A_52 : vector<1x2048xi1> to vector<64x2048xi1>
    %broadcast_in_dim3A_54 = vector.shape_cast %broadcast_in_dim3A_48 : vector<64x1xf32> to vector<64x1xf32>
    %broadcast_in_dim3A_55 = vector.broadcast %broadcast_in_dim3A_54 : vector<64x1xf32> to vector<64x2048xf32>
    %broadcast_in_dim3A_56 = vector.shape_cast %broadcast_in_dim3A_51 : vector<64x1xf32> to vector<64x1xf32>
    %broadcast_in_dim3A_57 = vector.broadcast %broadcast_in_dim3A_56 : vector<64x1xf32> to vector<64x2048xf32>
    %select_n3A_58 = arith.select %broadcast_in_dim3A_53, %broadcast_in_dim3A_55, %broadcast_in_dim3A_57 : vector<64x2048xi1>, vector<64x2048xf32>
    %slice3A_59 = vector.extract_strided_slice %get3A_3 {offsets = [0, 5], sizes = [64, 1], strides = [1, 1]} : vector<64x16xf32> to vector<64x1xf32>
    %squeeze3A_60 = vector.shape_cast %slice3A_59 : vector<64x1xf32> to vector<64xf32>
    %broadcast_in_dim3A_61 = vector.shape_cast %squeeze3A_60 : vector<64xf32> to vector<64x1xf32>
    %slice3A_62 = vector.extract_strided_slice %get3A_3 {offsets = [0, 4], sizes = [64, 1], strides = [1, 1]} : vector<64x16xf32> to vector<64x1xf32>
    %squeeze3A_63 = vector.shape_cast %slice3A_62 : vector<64x1xf32> to vector<64xf32>
    %broadcast_in_dim3A_64 = vector.shape_cast %squeeze3A_63 : vector<64xf32> to vector<64x1xf32>
    %broadcast_in_dim3A_65 = vector.shape_cast %ne3A_24 : vector<1x2048xi1> to vector<1x2048xi1>
    %broadcast_in_dim3A_66 = vector.broadcast %broadcast_in_dim3A_65 : vector<1x2048xi1> to vector<64x2048xi1>
    %broadcast_in_dim3A_67 = vector.shape_cast %broadcast_in_dim3A_61 : vector<64x1xf32> to vector<64x1xf32>
    %broadcast_in_dim3A_68 = vector.broadcast %broadcast_in_dim3A_67 : vector<64x1xf32> to vector<64x2048xf32>
    %broadcast_in_dim3A_69 = vector.shape_cast %broadcast_in_dim3A_64 : vector<64x1xf32> to vector<64x1xf32>
    %broadcast_in_dim3A_70 = vector.broadcast %broadcast_in_dim3A_69 : vector<64x1xf32> to vector<64x2048xf32>
    %select_n3A_71 = arith.select %broadcast_in_dim3A_66, %broadcast_in_dim3A_68, %broadcast_in_dim3A_70 : vector<64x2048xi1>, vector<64x2048xf32>
    %broadcast_in_dim3A_72 = vector.shape_cast %ne3A_30 : vector<1x2048xi1> to vector<1x2048xi1>
    %broadcast_in_dim3A_73 = vector.broadcast %broadcast_in_dim3A_72 : vector<1x2048xi1> to vector<64x2048xi1>
    %select_n3A_74 = arith.select %broadcast_in_dim3A_73, %select_n3A_58, %select_n3A : vector<64x2048xi1>, vector<64x2048xf32>
    %slice3A_75 = vector.extract_strided_slice %get3A_3 {offsets = [0, 6], sizes = [64, 1], strides = [1, 1]} : vector<64x16xf32> to vector<64x1xf32>
    %squeeze3A_76 = vector.shape_cast %slice3A_75 : vector<64x1xf32> to vector<64xf32>
    %broadcast_in_dim3A_77 = vector.shape_cast %squeeze3A_76 : vector<64xf32> to vector<64x1xf32>
    %broadcast_in_dim3A_78 = vector.shape_cast %ne3A_30 : vector<1x2048xi1> to vector<1x2048xi1>
    %broadcast_in_dim3A_79 = vector.broadcast %broadcast_in_dim3A_78 : vector<1x2048xi1> to vector<64x2048xi1>
    %broadcast_in_dim3A_80 = vector.shape_cast %broadcast_in_dim3A_77 : vector<64x1xf32> to vector<64x1xf32>
    %broadcast_in_dim3A_81 = vector.broadcast %broadcast_in_dim3A_80 : vector<64x1xf32> to vector<64x2048xf32>
    %select_n3A_82 = arith.select %broadcast_in_dim3A_79, %broadcast_in_dim3A_81, %select_n3A_71 : vector<64x2048xi1>, vector<64x2048xf32>
    %broadcast_in_dim3A_83 = vector.shape_cast %ne3A_36 : vector<1x2048xi1> to vector<1x2048xi1>
    %broadcast_in_dim3A_84 = vector.broadcast %broadcast_in_dim3A_83 : vector<1x2048xi1> to vector<64x2048xi1>
    %select_n3A_85 = arith.select %broadcast_in_dim3A_84, %select_n3A_82, %select_n3A_74 : vector<64x2048xi1>, vector<64x2048xf32>
    %slice3A_86 = vector.extract_strided_slice %get3A_3 {offsets = [0, 10], sizes = [64, 1], strides = [1, 1]} : vector<64x16xf32> to vector<64x1xf32>
    %squeeze3A_87 = vector.shape_cast %slice3A_86 : vector<64x1xf32> to vector<64xf32>
    %broadcast_in_dim3A_88 = vector.shape_cast %squeeze3A_87 : vector<64xf32> to vector<64x1xf32>
    %slice3A_89 = vector.extract_strided_slice %get3A_3 {offsets = [0, 9], sizes = [64, 1], strides = [1, 1]} : vector<64x16xf32> to vector<64x1xf32>
    %squeeze3A_90 = vector.shape_cast %slice3A_89 : vector<64x1xf32> to vector<64xf32>
    %broadcast_in_dim3A_91 = vector.shape_cast %squeeze3A_90 : vector<64xf32> to vector<64x1xf32>
    %slice3A_92 = vector.extract_strided_slice %get3A_3 {offsets = [0, 8], sizes = [64, 1], strides = [1, 1]} : vector<64x16xf32> to vector<64x1xf32>
    %squeeze3A_93 = vector.shape_cast %slice3A_92 : vector<64x1xf32> to vector<64xf32>
    %broadcast_in_dim3A_94 = vector.shape_cast %squeeze3A_93 : vector<64xf32> to vector<64x1xf32>
    %broadcast_in_dim3A_95 = vector.shape_cast %ne3A_12 : vector<1x2048xi1> to vector<1x2048xi1>
    %broadcast_in_dim3A_96 = vector.broadcast %broadcast_in_dim3A_95 : vector<1x2048xi1> to vector<64x2048xi1>
    %broadcast_in_dim3A_97 = vector.shape_cast %broadcast_in_dim3A_91 : vector<64x1xf32> to vector<64x1xf32>
    %broadcast_in_dim3A_98 = vector.broadcast %broadcast_in_dim3A_97 : vector<64x1xf32> to vector<64x2048xf32>
    %broadcast_in_dim3A_99 = vector.shape_cast %broadcast_in_dim3A_94 : vector<64x1xf32> to vector<64x1xf32>
    %broadcast_in_dim3A_100 = vector.broadcast %broadcast_in_dim3A_99 : vector<64x1xf32> to vector<64x2048xf32>
    %select_n3A_101 = arith.select %broadcast_in_dim3A_96, %broadcast_in_dim3A_98, %broadcast_in_dim3A_100 : vector<64x2048xi1>, vector<64x2048xf32>
    %broadcast_in_dim3A_102 = vector.shape_cast %ne3A_18 : vector<1x2048xi1> to vector<1x2048xi1>
    %broadcast_in_dim3A_103 = vector.broadcast %broadcast_in_dim3A_102 : vector<1x2048xi1> to vector<64x2048xi1>
    %broadcast_in_dim3A_104 = vector.shape_cast %broadcast_in_dim3A_88 : vector<64x1xf32> to vector<64x1xf32>
    %broadcast_in_dim3A_105 = vector.broadcast %broadcast_in_dim3A_104 : vector<64x1xf32> to vector<64x2048xf32>
    %select_n3A_106 = arith.select %broadcast_in_dim3A_103, %broadcast_in_dim3A_105, %select_n3A_101 : vector<64x2048xi1>, vector<64x2048xf32>
    %add3A = arith.addf %select_n3A_85, %select_n3A_106 : vector<64x2048xf32>
    %swap3A = arith.constant 0 : index
    %swap3A_107 = arith.constant 0 : index
    %swap3A_108 = arith.constant 0 : index
    %swap3A_109 = vector.load %arg4[%swap3A, %swap3A_107, %swap3A_108] : memref<1x64x2048xf32, #tpu.memory_space<vmem>>, vector<1x64x2048xf32>
    %swap3A_110 = vector.shape_cast %swap3A_109 : vector<1x64x2048xf32> to vector<64x2048xf32>
    %swap3A_111 = vector.shape_cast %add3A : vector<64x2048xf32> to vector<1x64x2048xf32>
    tpu.vector_store %arg4[%swap3A, %swap3A_107, %swap3A_108], %swap3A_111 {strides = array<i32>} : memref<1x64x2048xf32, #tpu.memory_space<vmem>>, vector<1x64x2048xf32>,
    return
  }
  func.func @transform_0(%arg0: i32, %arg1: i32) -> (i32, i32, i32) {
    %c0_i32 = arith.constant 0 : i32
    %c0_i32_0 = arith.constant 0 : i32
    %c0_i32_1 = arith.constant 0 : i32
    return %arg0, %c0_i32, %c0_i32_0 : i32, i32, i32
  }
  func.func @transform_1(%arg0: i32, %arg1: i32) -> (i32, i32, i32) {
    %c0_i32 = arith.constant 0 : i32
    %c0_i32_0 = arith.constant 0 : i32
    return %arg0, %c0_i32, %arg1 : i32, i32, i32
  }
  func.func @transform_2(%arg0: i32, %arg1: i32) -> (i32, i32, i32) {
    %c0_i32 = arith.constant 0 : i32
    %c0_i32_0 = arith.constant 0 : i32
    return %arg0, %c0_i32, %arg1 : i32, i32, i32
  }
}

</mosaic_0001>

<sc_bundles>
// kernel: kernel.4.cloned.1.call-start
scs
__scs_entry_jumppad:
0x0: {  	(pc) =	sbr.rel $0x88, $3  }
0x1: {  	(tag) =	ssettag $0x0;
	lr =	simm.s32 $0x1  }
0x2: {  	[smem:$0x3F9B] =	sst lr;
	_ =	strace $0xD0000000  }
0x3: {  	_ = 	snop  }
0x4: {  	_ = 	snop  }
0x5: {  	_ = 	snop  }
0x6: {  	_ = 	snop  }
0x7: {  	_ = 	snop  }
__scs_overlays_trampoline_lowered:
0x8: {  	[smem:$0x3FAA] =	sst s0  }
0x9: {  	[smem:$0x3FAB] =	sst s1  }
0xa: {  	[smem:$0x3FAC] =	sst s2  }
0xb: {  	[smem:$0x3FAD] =	sst s3  }
0xc: {  	[smem:$0x3FAE] =	sst s4  }
0xd: {  	[smem:$0x3FAF] =	sst s5  }
0xe: {  	[smem:$0x3FB0] =	sst s6  }
0xf: {  	[smem:$0x3FB1] =	sst s7  }
0x10: {  	[smem:$0x3FB2] =	sst s8  }
0x11: {  	[smem:$0x3FB3] =	sst s9;
	s0 =	simm.s32 @!p0 $0x0  }
0x12: {  	s1 =	sld [smem:$0x3F99];
	s0 =	simm.s32 @p0 $0x1  }
0x13: {  	[smem:$0x3FB4] =	sst s0;
	s0 =	simm.s32 @!p1 $0x0  }
0x14: {  	s2 =	sld [smem:$0x3F98];
	s0 =	simm.s32 @p1 $0x1  }
0x15: {  	[smem:$0x3FB5] =	sst s0;
	s0 =	simm.s32 @!p2 $0x0  }
0x16: {  	s3 =	sld [smem:$0x3FDB];
	s0 =	simm.s32 @p2 $0x1  }
0x17: {  	s4 =	simm.s32 $0x1BF5;
	[smem:$0x3FB7] =	sst s0  }
0x18: {  	s0 =	sld [smem:$0x3F9A];
	_ =	swait.ge [sflag:s4], $0x0  }
0x19: {  	s7 =	sld [smem:$0x3F9B]  }
0x1a: {  	s8 =	sadd.s32 $0xFFFFE003, lr  }
0x1b: {  	s9 =	sadd.s32 $0xFFFFFEF7, lr;
	s5 =	simm.s32 $0xFFFFFFFF;
	p2 =	slt.u32 s8, $0xFFFFF086  }
0x1c: {  	p1 =	slt.u32 s9, $0xF7A;
	s5 =	simm.s32 @!p2 $0x0  }
0x1d: {  	s5 =	simm.s32 @p1 $0x1;
	p0 =	seq.s32 s7, s2  }
0x1e: {  	s7 =	smul.u32 @!p0 $0xF7A, s2;
	p2 =	seq.s32 @!p0 s5, $0x0  }
0x1f: {  	s9 =	smul.u32 $0xF7A, s1;
	s8 =	simm.s32 @!p0 $0x1BF5;
	p2 =	por !p2, p0  }
0x20: {  	[sflag:s8] =	ssyncset.s32 @!p0 $0xFFFFF086;
	s6 =	sadd.s32 @!p0 s3, s7;
	s7 =	simm.s32 @!p0 $0x108  }
0x21: {  	s3 =	sadd.s32 s3, s9;
	s6 =	sadd.s32 @!p0 $0x88, s6;
	s7 =	simm.s32 @p2 $0x1082  }
0x22: {  	[simem:s7], [sflag:s8] =	dma.local @!p0 [hbm:s6], $0xF7A  }
0x23: {  	s9 =	sor.u32 $0xD0000000, s2;
	s6 =	simm.s32 $0x108;
	_ =	swait.ge @!p0 [sflag:s8], $0x0  }
0x24: {  	s3 =	sadd.s32 $0x88, s3;
	s6 =	simm.s32 @!p1 $0x1082;
	[sflag:s4] =	ssyncset.s32 $0xFFFFF086  }
0x25: {  	[simem:s6], [sflag:s4] =	dma.local [hbm:s3], $0xF7A  }
0x26: {  	[smem:$0x3F9B] =	sst s1;
	(tag) =	ssettag s2;
	_ =	strace s9  }
0x27: {  	s1 =	sld [smem:$0x3FAB]  }
0x28: {  	s2 =	sld [smem:$0x3FAC]  }
0x29: {  	s4 =	sld [smem:$0x3FAE]  }
0x2a: {  	p0 =	seq.s32 s5, $0x0;
	s5 =	sld [smem:$0x3FAF]  }
0x2b: {  	s6 =	sld [smem:$0x3FB0]  }
0x2c: {  	s7 =	sld [smem:$0x3FB1]  }
0x2d: {  	s3 =	simm.s32 $0x108;
	s8 =	sld [smem:$0x3FB2]  }
0x2e: {  	s3 =	simm.s32 @!p0 $0x1082;
	s9 =	sld [smem:$0x3FB3]  }
0x2f: {  	lr =	sadd.s32 s0, s3;
	s0 =	sld [smem:$0x3FAA]  }
0x30: {  	s3 =	sld [smem:$0x3FAD]  }
0x31: {  	[smem:$0x3FB6] =	sst s10  }
0x32: {  	s10 =	sld [smem:$0x3FB4];
	_ =	sdelay $0x3  }
0x33: {  	p0 =	seq.s32 s10, $0x1;
	s10 =	sld [smem:$0x3FB6];
	_ =	sdelay $0x3  }
0x34: {  	[smem:$0x3FB6] =	sst s10  }
0x35: {  	s10 =	sld [smem:$0x3FB5];
	_ =	sdelay $0x3  }
0x36: {  	p1 =	seq.s32 s10, $0x1;
	s10 =	sld [smem:$0x3FB6];
	_ =	sdelay $0x3  }
0x37: {  	[smem:$0x3FB6] =	sst s10  }
0x38: {  	s10 =	sld [smem:$0x3FB7]  }
0x39: {  	_ = 	snop;
	(pc) =	sbr.ind lr, $3  }
0x3a: {  	_ = 	snop  }
0x3b: {  	_ = 	snop  }
0x3c: {  	p2 =	seq.s32 s10, $0x1;
	s10 =	sld [smem:$0x3FB6]  }
0x3d: {  	_ =	shalt  }
0x3e: {  	_ =	shalt  }
0x3f: {  	_ =	shalt  }
0x40: {  	_ =	shalt  }
0x41: {  	_ =	shalt  }
0x42: {  	_ =	shalt  }
0x43: {  	_ =	shalt  }
0x44: {  	_ =	shalt  }
0x45: {  	_ =	shalt  }
0x46: {  	_ =	shalt  }
0x47: {  	_ =	shalt  }
0x48: {  	_ =	shalt  }
0x49: {  	_ =	shalt  }
0x4a: {  	_ =	shalt  }
0x4b: {  	_ =	shalt  }
0x4c: {  	_ =	shalt  }
0x4d: {  	_ =	shalt  }
0x4e: {  	_ =	shalt  }
0x4f: {  	_ =	shalt  }
0x50: {  	_ =	shalt  }
0x51: {  	_ =	shalt  }
0x52: {  	_ =	shalt  }
0x53: {  	_ =	shalt  }
0x54: {  	_ =	shalt  }
0x55: {  	_ =	shalt  }
0x56: {  	_ =	shalt  }
0x57: {  	_ =	shalt  }
0x58: {  	_ =	shalt  }
0x59: {  	_ =	shalt  }
0x5a: {  	_ =	shalt  }
0x5b: {  	_ =	shalt  }
0x5c: {  	_ =	shalt  }
0x5d: {  	_ =	shalt  }
0x5e: {  	_ =	shalt  }
0x5f: {  	_ =	shalt  }
0x60: {  	_ =	shalt  }
0x61: {  	_ =	shalt  }
0x62: {  	_ =	shalt  }
0x63: {  	_ =	shalt  }
0x64: {  	_ =	shalt  }
0x65: {  	_ =	shalt  }
0x66: {  	_ =	shalt  }
0x67: {  	_ =	shalt  }
0x68: {  	_ =	shalt  }
0x69: {  	_ =	shalt  }
0x6a: {  	_ =	shalt  }
0x6b: {  	_ =	shalt  }
0x6c: {  	_ =	shalt  }
0x6d: {  	_ =	shalt  }
0x6e: {  	_ =	shalt  }
0x6f: {  	_ =	shalt  }
0x70: {  	_ =	shalt  }
0x71: {  	_ =	shalt  }
0x72: {  	_ =	shalt  }
0x73: {  	_ =	shalt  }
0x74: {  	_ =	shalt  }
0x75: {  	_ =	shalt  }
0x76: {  	_ =	shalt  }
0x77: {  	_ =	shalt  }
0x78: {  	_ =	shalt  }
0x79: {  	_ =	shalt  }
0x7a: {  	_ =	shalt  }
0x7b: {  	_ =	shalt  }
0x7c: {  	_ =	shalt  }
0x7d: {  	_ =	shalt  }
0x7e: {  	_ =	shalt  }
0x7f: {  	_ =	shalt  }
0x80: {  	_ =	shalt  }
0x81: {  	_ =	shalt  }
0x82: {  	_ =	shalt  }
0x83: {  	_ =	shalt  }
0x84: {  	_ =	shalt  }
0x85: {  	_ =	shalt  }
0x86: {  	_ =	shalt  }
0x87: {  	_ =	shalt  }
.Lfunc_end0:
.L_simem_size_0:
called_computation_lowered:
.L_overlay_start_0:
0x88: {  	s2 =	sld [smem:$0x3FD9]  }
0x89: {  	s3 =	sld [smem:$0x3FFE];
	_ =	sdelay $0x1  }
0x8a: {  	s1 =	srdreg.scid  }
0x8b: {  	s0 =	sand.u32 $0x1, s1  }
0x8c: {  	s17 =	sshll.u32 s0, $0xA;
	s2 =	sadd.s32 s3, s2  }
0x8d: {  	s2 =	sadd.s32 s2, s17  }
0x8e: {  	[smem:$0x3FC2] =	sst s2  }
0x8f: {  	_ = 	snop  }
0x90: {  	s2 =	sld [smem:$0x3FD0];
	(tm) =	ssettm $0x1  }
0x91: {  	s18 =	sld [smem:$0x3FFB];
	_ =	sdelay $0x3  }
0x92: {  	_ =	strace s18  }
0x93: {  	s3 =	sld [smem:$0x3FFC];
	_ =	sdelay $0x3  }
0x94: {  	_ =	strace s3  }
0x95: {  	s3 =	sld [smem:$0x3FFD];
	_ =	sdelay $0x3  }
0x96: {  	_ =	strace s3  }
0x97: {  	_ =	strace $0x8FFFFFFF  }
0x98: {  	s19 =	sld [smem:$0x3FDB];
	_ =	sdelay $0x1  }
0x99: {  	s4 =	simm.s32 $_scs_section_size  }
0x9a: {  	s5 =	simm.s32 $_size__tile_overlayer_lowered;
	s6 =	simm.s32 $_tile_overlayer_lowered  }
0x9b: {  	s22 =	simm.s32 $0x1BFF;
	s21 =	sshll.u32 s6, $0x1;
	s3 =	sadd.s32 s4, s19  }
0x9c: {  	s7 =	simm.s32 $0x0;
	s20 =	sshll.u32 s5, $0x1;
	s5 =	sadd.s32 s21, s3  }
0x9d: {  	[timem:s7], [sflag:s22] =	dma.local [hbm:s5], s20  }
0x9e: {  	_ =	swait.ge [sflag:s22], s20  }
0x9f: {  	s4 =	ssub.s32 $0x0, s20;
	[sflag:s22] =	ssyncset.done $0x0  }
0xa0: {  	[sflag:s22] =	ssyncadd.s32 s4;
	_ =	sdelay $0x1  }
0xa1: {  	s23 =	simm.s32 $0x1B8B  }
0xa2: {  	_ =	swait.ge [sflag:s23], $0x1  }
0xa3: {  	[sflag:s23] =	ssyncset.done $0x0  }
0xa4: {  	s25 =	simm.s32 $0x1B8E;
	s24 =	sld [smem:$0x3FFE];
	[sflag:s23] =	ssyncadd.s32 $0xFFFFFFFF  }
0xa5: {  	s26 =	simm.s32 $execute0_lowered;
	[smem:$0x3FD2] =	sst s25  }
0xa6: {  	s5 =	sshll.u32 s26, $0x1;
	_ =	strace $0x80000046;
	[dreg:$0x1] =	wrdreg $0xFFFFFFFF  }
0xa7: {  	s28 =	simm.s32 $_size_execute0_lowered;
	s3 =	sadd.s32 s3, s5;
	[dreg:$0x0] =	wrdreg $0x0  }
0xa8: {  	s5 =	sshll.u32 s28, $0x1;
	[dreg:$0x2] =	wrdreg s3  }
0xa9: {  	[dreg:$0x3] =	wrdreg s5  }
0xaa: {  	[dreg:$0x4] =	wrdreg $0xC0  }
0xab: {  	_ =	task [dreg:s7], $0x5FFFF  }
0xac: {  	[dreg:$0x1] =	wrdreg $0xFFFFFFFF  }
0xad: {  	[dreg:$0x0] =	wrdreg $0x60  }
0xae: {  	[dreg:$0x2] =	wrdreg s2  }
0xaf: {  	[dreg:$0x3] =	wrdreg s24  }
0xb0: {  	[dreg:$0x4] =	wrdreg $0x9  }
0xb1: {  	_ =	task.clear_ibuf [dreg:s7], $0x5FFFF;
	_ =	strace $0x90000046  }
0xb2: {  	s29 =	simm.s32 $0x9;
	_ =	strace $0x80000051  }
0xb3: {  	_ =	swait.ge [sflag:s29], $0x1  }
0xb4: {  	[sflag:s29] =	ssyncadd.s32 $0xFFFFFFFF  }
0xb5: {  	_ =	strace $0x90000051  }
0xb6: {  	_ =	sfence  }
0xb7: {  	s30 =	sld [smem:$0x0];
	_ =	sdelay $0x2  }
0xb8: {  	s31 =	sshll.u32 s1, $0xD;
	s1 =	sshrl.u32 s1, $0x2  }
0xb9: {  	s3 =	sand.u32 $0x4000, s31;
	s1 =	sadd.s32 s1, s30  }
0xba: {  	s0 =	sor.u32 s3, s0;
	s1 =	sshll.u32 s1, $0x11  }
0xbb: {  	s0 =	sor.u32 s1, s0  }
0xbc: {  	s0 =	sadd.s32 $0x8F2B, s0  }
0xbd: {  	[sflag:s0] =	ssyncadd.remote.s32 $0x1  }
0xbe: {  	_ =	sfence.sel $0xFFFF  }
0xbf: {  	[dreg:$0x0] =	wrdreg $0xFFFFFFFF;
	(pc) =	sbr.abs _section_cstart, $3  }
0xc0: {  	[dreg:$0x1] =	wrdreg $0xFFFFFFFF  }
0xc1: {  	_ =	task.clear_ibuf [dreg:s7], $0x2FFFF;
	_ =	strace $0x9FFFFFFF  }
0xc2: {  	(tm) =	ssettm $0x7FFFFFFF  }
0xc3: {  	_ =	shalt  }
tec
execute0_lowered:
.L_overlay_start_1:
0x0: {  	(tag) =	ssettag $0x1  }
0x1: {  	s1 =	rddreg [dreg:$0x0]  }
0x2: {  	s0 =	rddreg [dreg:$0x1];
	s2 =	simm.s32 $0x0  }
0x3: {  	s3 =	srdreg.scid;
	s6 =	stileid.u32;
	s11 =	simm.s32 $0xC000  }
0x4: {  	s12 =	simm.s32 $0x6;
	s13 =	simm.s32 $0x0;
	[smem:$0x7FF] =	sst s2  }
.Ltmp0:
0x5: {  	s3 =	sand.u32 $0x1, s3;
	s4 =	sadd.s32 $0x1000, s0;
	(pc) =	sbr.rel .LBB2_1-.Ltmp0, $4  }
0x6: {  	_ =	strace $0x80000047;
	s5 =	sshll.u32 s3, $0x4;
	s3 =	ssub.s32 $0x2, s3  }
0x7: {  	s6 =	sor.u32 s6, s5;
	s5 =	sadd.s32 $0x21000, s0;
	s31 =	sshrl.u32 s3, $0x1  }
0x8: {  	v0 =	vlaneseq.u32;
	s8 =	sshll.u32 s6, $0xC;
	s0 =	ssub.s32 s3, s31;
	s6 =	sshll.u32 s6, $0x1  }
0x9: {  	v0 =	vmul.u32 $0x40, v0;
	s7 =	sadd.s32 s1, s8;
	s8 =	sadd.s32 s4, s8;
	s9 =	smax.u32 s0, $0x1  }
.LBB2_10:
0xa: {  	s0 =	sand.u32 $0x1, s14  }
0xb: {  	_ =	strace $0x8000004F;
	s0 =	sadd.s32 $0x5, s0  }
0xc: {  	_ =	swait.ge [sflag:s0], $0x4000  }
0xd: {  	[sflag:s0] =	ssyncset.done $0x0  }
0xe: {  	s13 =	sadd.s32 $0x1, s13;
	[sflag:s0] =	ssyncadd.s32 $0xFFFFC000  }
0xf: {  	p0 =	sne.s32 s13, s9;
	_ =	strace $0x9000004F  }
.Ltmp1:
0x10: {  	_ =	strace $0x80000050;
	(pc) =	sbr.rel @!p0 .LBB2_11-.Ltmp1, $4  }
0x11: {  	_ =	swait.ge [sflag:s12], $0x4000  }
0x12: {  	[sflag:s12] =	ssyncset.done $0x0  }
0x13: {  	[sflag:s12] =	ssyncadd.s32 $0xFFFFC000  }
0x14: {  	_ =	strace $0x90000050  }
.LBB2_1:
0x15: {  	_ =	strace $0x80000048  }
0x16: {  	s0 =	simm.s32 $0x4000;
	p0 =	por $0x1, $0x1;
	p1 =	por $0x0, $0x0  }
0x17: {  	s22 =	simm.s32 $0x0;
	s14 =	simm.s32 $0x0;
	s15 =	simm.s32 $0x0  }
0x18: {  	[tilespmem:s0], [sflag:$0x1] =	stream.linear.gather [hbm4b:s7+s2], $0x4000, $0x200038;
	[tilespmem:$0x1C000] =	vst v63  }
0x19: {  	s16 =	simm.s32 $0x0;
	s17 =	simm.s32 $0x1;
	s18 =	simm.s32 $0x0  }
0x1a: {  	[tilespmem:s11], [sflag:$0x3] =	stream.linear.gather [hbm4b:s8+s2], $0x4000, $0x200038;
	[tilespmem:$0x1C000] =	vst v63  }
0x1b: {  	s19 =	simm.s32 $0x1;
	s20 =	simm.s32 $0x0;
	_ =	strace $0x90000048  }
.LBB2_2:
0x1c: {  	s21 =	sadd.s32 $0x1, s22  }
0x1d: {  	p2 =	seq.s32 s21, $0x2  }
0x1e: {  	s21 =	simm.s32 @p2 $0x0  }
0x1f: {  	p2 =	seq.s32 @p0 s22, s21  }
0x20: {  	p3 =	por p2, !p0  }
0x21: {  	s0 =	sadd.s32 @!p3 s6, s21  }
0x22: {  	s3 =	sand.u32 @!p3 $0x1, s19;
	_ =	strace @!p3 $0x80000049;
	s0 =	sshll.u32 @!p3 s0, $0xB  }
0x23: {  	s25 =	simm.s32 @!p3 $0x0;
	s23 =	sshll.u32 @!p3 s3, $0xE;
	s0 =	sand.u32 @!p3 $0x1FFFF800, s0  }
0x24: {  	s3 =	sadd.s32 @!p3 $0x1, s3;
	s23 =	sadd.s32 @!p3 $0x4000, s23;
	s24 =	sadd.s32 @!p3 s1, s0  }
0x25: {  	[tilespmem:s23], [sflag:s3] =	stream.linear.gather @!p3 [hbm4b:s24+s25], $0x4000, $0x200038;
	[tilespmem:$0x1C000] =	vst v63  }
0x26: {  	s3 =	sand.u32 @!p3 $0x1, s17  }
0x27: {  	s0 =	sadd.s32 @!p3 s4, s0;
	_ =	strace @!p3 $0x90000049;
	s23 =	sshll.u32 @!p3 s3, $0xE  }
0x28: {  	s3 =	sadd.s32 @!p3 $0x3, s3;
	_ =	strace @!p3 $0x8000004A;
	s23 =	sadd.s32 @!p3 $0xC000, s23  }
0x29: {  	[tilespmem:s23], [sflag:s3] =	stream.linear.gather @!p3 [hbm4b:s0+s25], $0x4000, $0x200038;
	[tilespmem:$0x1C000] =	vst v63  }
0x2a: {  	s26 =	sand.u32 $0x1, s18;
	_ =	strace @!p3 $0x9000004A  }
0x2b: {  	s0 =	sadd.s32 $0x1, s26;
	_ =	strace $0x8000004B  }
0x2c: {  	_ =	swait.ge [sflag:s0], $0x4000  }
0x2d: {  	[sflag:s0] =	ssyncset.done $0x0  }
0x2e: {  	[sflag:s0] =	ssyncadd.s32 $0xFFFFC000  }
0x2f: {  	s28 =	sand.u32 $0x1, s16;
	s29 =	sshll.u32 s18, $0xE;
	_ =	strace $0x9000004B  }
0x30: {  	s30 =	sand.u32 $0x4000, s29;
	s0 =	sadd.s32 $0x3, s28;
	_ =	strace $0x8000004C  }
0x31: {  	p2 =	por !p2, !p0;
	s3 =	sadd.s32 @!p3 $0x1, s19;
	_ =	swait.ge [sflag:s0], $0x4000  }
0x32: {  	s25 =	smov.u32 s19;
	s26 =	sshll.u32 s16, $0xE;
	[sflag:s0] =	ssyncset.done $0x0  }
0x33: {  	s31 =	sand.u32 $0x4000, s26;
	[sflag:s0] =	ssyncadd.s32 $0xFFFFC000;
	s0 =	sadd.s32 $0x4000, s30  }
0x34: {  	s25 =	smov.u32 @p2 s3;
	s3 =	sadd.s32 $0xC000, s31;
	v1 =	vmov s0  }
0x35: {  	s23 =	simm.s32 $0x0;
	v2 =	vmov s3  }
0x36: {  	s24 =	sadd.s32 s6, s22;
	s23 =	simm.s32 @p2 $0x1  }
0x37: {  	s26 =	simm.s32 $0x40;
	s19 =	smov.u32 @p0 s25;
	_ =	strace $0x9000004C  }
0x38: {  	s23 =	simm.s32 @!p0 $0x0;
	s25 =	simm.s32 $0x0;
	_ =	strace $0x8000004D  }
.LBB2_3:
0x39: {  	p2 =	seq.s32 s26, $0xFFC0;
	v3 =	vld.idx.msk [tilespmem:v1+s25+$0x0 ss:$0x1], $0xffff  }
0x3a: {  	v4 =	vld.idx.msk [tilespmem:v2+s25+$0x0 ss:$0x1], $0xffff;
	_ =	sdelay $0x2  }
.Ltmp2:
0x3b: {  	(pc) =	sbr.rel @!p2 .LBB2_3-.Ltmp2, $4  }
0x3c: {  	_ = 	snop  }
0x3d: {  	v3 =	vshll.u32 v3, $0x2  }
0x3e: {  	v3 =	vadd.s32 v4, v3  }
0x3f: {  	[tilespmem:s25+$0x0] =	vst v3;
	s25 =	sshra.s32 s26, $0x2;
	s26 =	sadd.s32 $0x40, s26  }
0x40: {  	_ =	sdelay $0x3  }
0x41: {  	v1 =	vld.idx.msk [tilespmem:v1+s25+$0x0 ss:$0x1], $0xffff  }
0x42: {  	v2 =	vld.idx.msk [tilespmem:v2+s25+$0x0 ss:$0x1], $0xffff;
	_ =	sdelay $0x3  }
0x43: {  	s26 =	sand.u32 $0x1, s15;
	v1 =	vshll.u32 v1, $0x2  }
0x44: {  	s0 =	sshll.u32 s26, $0xE;
	v1 =	vadd.s32 v2, v1  }
0x45: {  	[tilespmem:s25+$0x0] =	vst v1;
	s25 =	sadd.s32 $0x14000, s0  }
0x46: {  	s28 =	simm.s32 $0x0;
	s29 =	smov.u32 s25  }
.LBB2_5:
0x47: {  	v2 =	vor.u32 s28, v0;
	_ =	sdelay $0x4  }
0x48: {  	s31 =	sadd.s32 $0x400, s28;
	v1 =	vmov s29;
	v2 =	vld.idx.msk [tilespmem:v2+s2+$0x0], $0xffff  }
0x49: {  	s30 =	simm.s32 $0x40;
	s0 =	simm.s32 $0x80;
	s3 =	simm.s32 $0x0;
	v3 =	vor.u32 s31, v0  }
.LBB2_6:
0x4a: {  	p2 =	sne.s32 s0, $0x3C0;
	_ =	sdelay $0x1  }
.Ltmp3:
0x4b: {  	s10 =	sshra.s32 s3, $0x2;
	s3 =	smov.u32 s30;
	(pc) =	sbr.rel @p2 .LBB2_6-.Ltmp3, $4  }
0x4c: {  	s30 =	smov.u32 s0;
	[tilespmem:v1+s10+$0x0 ss:$0x1] =	vst.idx.msk $0xffff, v2  }
0x4d: {  	v2 =	vld.idx.msk [tilespmem:v3+s2+$0x0], $0xffff  }
0x4e: {  	s31 =	sadd.s32 $0x400, s31  }
0x4f: {  	s0 =	sadd.s32 $0x40, s0;
	v3 =	vor.u32 s31, v0  }
0x50: {  	_ =	sdelay $0x2  }
0x51: {  	s0 =	sshra.s32 s3, $0x2  }
0x52: {  	s28 =	sadd.s32 $0x1, s28;
	[tilespmem:v1+s0+$0x0 ss:$0x1] =	vst.idx.msk $0xffff, v2  }
0x53: {  	p2 =	sne.s32 s28, $0x40;
	v2 =	vld.idx.msk [tilespmem:v3+s2+$0x0], $0xffff  }
.Ltmp4:
0x54: {  	_ = 	snop;
	(pc) =	sbr.rel @p2 .LBB2_5-.Ltmp4, $3  }
0x55: {  	_ =	sdelay $0x1  }
0x56: {  	s31 =	sshra.s32 s30, $0x2  }
0x57: {  	s29 =	sadd.s32 $0x100, s29;
	[tilespmem:v1+s31+$0x0 ss:$0x1] =	vst.idx.msk $0xffff, v2  }
0x58: {  	p2 =	sne.s32 s22, s21  }
0x59: {  	p1 =	por p1, p2  }
.Ltmp5:
0x5a: {  	_ =	strace $0x9000004D;
	s0 =	sshll.u32 @p1 s24, $0x5;
	(pc) =	sbr.rel @!p0 .LBB2_10-.Ltmp5, $4  }
0x5b: {  	_ =	strace @p1 $0x8000004E;
	s3 =	sadd.s32 @p1 $0x5, s26;
	s0 =	sand.u32 @p1 $0x1FFFFFE0, s0  }
0x5c: {  	s10 =	simm.s32 @p1 $0x100;
	s22 =	simm.s32 @p1 $0x4000;
	s0 =	sadd.s32 @p1 s5, s0  }
0x5d: {  	[hbm4b:s0+s10] =	stream.strided.scatter @p1 [tilespmem:s25], [sflag:s3], $0x4000, s22, s10, $0x200038;
	[tilespmem:$0x1C000] =	vst v63  }
0x5e: {  	_ =	strace @p1 $0x9000004E  }
.Ltmp6:
0x5f: {  	(pc) =	sbr.rel .LBB2_2-.Ltmp6, $4  }
0x60: {  	s0 =	simm.s32 $0x1;
	s17 =	sadd.s32 s17, s23  }
0x61: {  	s14 =	sadd.s32 s20, s14;
	s20 =	simm.s32 $0x1;
	p0 =	por $0x0, $0x0  }
0x62: {  	s22 =	smov.u32 s21;
	s0 =	simm.s32 @!p1 $0x0;
	p1 =	por $0x1, $0x1  }
0x63: {  	s15 =	sadd.s32 s0, s15;
	s18 =	sadd.s32 s0, s18;
	s16 =	sadd.s32 s0, s16  }
.LBB2_11:
0x64: {  	_ =	sfence.sel $0x180000  }
0x65: {  	[bflag:$0x0] =	sbarrier.arrive $0xFFFF  }
0x66: {  	_ =	strace $0x90000047  }
0x67: {  	s0 =	stileid.u32;
	[bflag:$0x2] =	sbarrier.arrive $0xFFFF  }
0x68: {  	p0 =	sne.s32 s0, $0x0;
	s0 =	rddreg [dreg:$0x2]  }
0x69: {  	s0 =	sadd.s32 @!p0 $0x100000, s0  }
0x6a: {  	[sflag:s0] =	ssyncadd.tile.s32 @!p0 $0x1;
	_ =	shalt  }
.Lfunc_end2:
_tile_overlayer_lowered:
.L_overlay_start_2:
0x6b: {  	(tag) =	ssettag $0x2  }
0x6c: {  	s0 =	rddreg [dreg:$0x0];
	s2 =	stileid.u32  }
0x6d: {  	s1 =	rddreg [dreg:$0x1];
	p0 =	sne.s32 s2, $0x0  }
0x6e: {  	s3 =	rddreg [dreg:$0x2];
	[bflag:$0x3] =	sbarrier.arrive $0xFFFF;
	s2 =	simm.s32 @!p0 $0x1C01  }
0x6f: {  	[timem:s3], [sflag:s2] =	dma.local @!p0 [hbm:s0], s1  }
0x70: {  	s0 =	simm.s32 @!p0 $0x1  }
0x71: {  	_ =	swait.ge @!p0 [sflag:s0], s1  }
0x72: {  	s1 =	ssub.s32 @!p0 $0x0, s1;
	[sflag:s0] =	ssyncset.done @!p0 $0x0  }
0x73: {  	[sflag:s0] =	ssyncadd.s32 @!p0 s1  }
0x74: {  	[bflag:$0x3] =	sbarrier.arrive $0xFFFF  }
0x75: {  	_ =	shalt  }

</sc_bundles>
